<compile_context>
chip_gen: v7x
topology: tpu7x:2x2x1
jax: 0.10.2.dev20260603
libtpu: 0.0.44.dev20260713+nightly
codegen_flags: <defaults>
</compile_context>

<pallas_src>
import functools

import jax
import jax.numpy as jnp
from jax import lax
from jax.experimental import pallas as pl
from jax.experimental.pallas import tpu as pltpu
from jax.experimental.pallas import tpu_sc as plsc

_NC = 2
_NS = 16
_CHUNK = 128
_RB = 1280


def _ceil_mult(v, m):
    return (v + m - 1) // m * m


def _mesh():
    return plsc.VectorSubcoreMesh(core_axis_name="c", subcore_axis_name="s",
                                  num_cores=_NC, num_subcores=_NS)


def _sc_degree(dstp, npad, ncw, d):
    rows_sub = npad // _NS
    ew = ncw * _CHUNK
    assert ncw % 2 == 0

    @functools.partial(
        pl.kernel,
        out_type=jax.ShapeDtypeStruct((_NC, npad, d), jnp.float32),
        mesh=_mesh(),
        scratch_types=[
            pltpu.VMEM((_CHUNK,), jnp.int32),
            pltpu.VMEM((_CHUNK,), jnp.int32),
            pltpu.VMEM((_CHUNK, d), jnp.float32),
            pltpu.VMEM_SHARED((npad, d), jnp.float32),
            pltpu.SemaphoreType.DMA,
            pltpu.SemaphoreType.DMA,
        ],
    )
    def k(dst_hbm, out_hbm, didx0, didx1, ones, acc, sem0, sem1):
        didxs = (didx0, didx1)
        sems = (sem0, sem1)
        cid = lax.axis_index("c")
        sid = lax.axis_index("s")
        base_r = sid * rows_sub
        wid = sid * _NC + cid
        ebase = wid * ew
        pltpu.async_copy(dst_hbm.at[pl.ds(ebase, _CHUNK)], didx0, sem0)
        pltpu.async_copy(dst_hbm.at[pl.ds(ebase + _CHUNK, _CHUNK)], didx1,
                         sem1)

        @pl.loop(0, 16)
        def _(r):
            @pl.loop(0, d, step=16)
            def _(j):
                ones[r, pl.ds(j, 16)] = jnp.zeros((16,), jnp.float32)

        @pl.loop(0, rows_sub, step=16)
        def _(r):
            pltpu.sync_copy(ones.at[pl.ds(0, 16)],
                            acc.at[pl.ds(base_r + r, 16)])

        @pl.loop(0, _CHUNK)
        def _(r):
            @pl.loop(0, d, step=16)
            def _(j):
                ones[r, pl.ds(j, 16)] = jnp.ones((16,), jnp.float32)

        plsc.subcore_barrier()

        @pl.loop(0, ncw, step=2)
        def _(c):
            for s in range(2):
                ck = c + s
                pltpu.make_async_copy(
                    dst_hbm.at[pl.ds(ebase + ck * _CHUNK, _CHUNK)],
                    didxs[s], sems[s]).wait()
                pltpu.sync_copy(ones, acc.at[didxs[s]], add=True)

                @pl.when(ck + 2 < ncw)
                def _():
                    pltpu.async_copy(
                        dst_hbm.at[pl.ds(ebase + (ck + 2) * _CHUNK, _CHUNK)],
                        didxs[s], sems[s])

        plsc.subcore_barrier()
        pltpu.sync_copy(acc.at[pl.ds(base_r, rows_sub)],
                        out_hbm.at[cid, pl.ds(base_r, rows_sub)])

    return k(dstp)


def _sc_spmm(y, srcp, dstp, npad, ncw):
    d = y.shape[1]
    rows_sub = npad // _NS
    ew = ncw * _CHUNK
    assert ncw % 2 == 0 and rows_sub % _CHUNK == 0

    @functools.partial(
        pl.kernel,
        out_type=jax.ShapeDtypeStruct((_NC, npad, d), jnp.float32),
        mesh=_mesh(),
        scratch_types=[
            pltpu.VMEM((_CHUNK,), jnp.int32),
            pltpu.VMEM((_CHUNK,), jnp.int32),
            pltpu.VMEM((_CHUNK,), jnp.int32),
            pltpu.VMEM((_CHUNK,), jnp.int32),
            pltpu.VMEM((_CHUNK, d), jnp.float32),
            pltpu.VMEM((_CHUNK, d), jnp.float32),
            pltpu.VMEM_SHARED((npad, d), jnp.float32),
            pltpu.SemaphoreType.DMA,
            pltpu.SemaphoreType.DMA,
            pltpu.SemaphoreType.DMA,
            pltpu.SemaphoreType.DMA,
        ],
    )
    def k(y_hbm, src_hbm, dst_hbm, out_hbm, sidx0, sidx1, didx0, didx1,
          gbuf0, gbuf1, acc, is0, is1, gs0, gs1):
        sidxs = (sidx0, sidx1)
        didxs = (didx0, didx1)
        gbufs = (gbuf0, gbuf1)
        isems = (is0, is1)
        gsems = (gs0, gs1)
        cid = lax.axis_index("c")
        sid = lax.axis_index("s")
        wid = sid * _NC + cid
        ebase = wid * ew

        def ifetch(c, s):
            off = ebase + c * _CHUNK
            pltpu.async_copy(src_hbm.at[pl.ds(off, _CHUNK)], sidxs[s],
                             isems[s])
            pltpu.async_copy(dst_hbm.at[pl.ds(off, _CHUNK)], didxs[s],
                             isems[s])

        def iwait(c, s):
            off = ebase + c * _CHUNK
            pltpu.make_async_copy(src_hbm.at[pl.ds(off, _CHUNK)], sidxs[s],
                                  isems[s]).wait()
            pltpu.make_async_copy(dst_hbm.at[pl.ds(off, _CHUNK)], didxs[s],
                                  isems[s]).wait()

        def gwait_scatter(s):
            pltpu.make_async_copy(y_hbm.at[sidxs[s]], gbufs[s],
                                  gsems[s]).wait()
            pltpu.sync_copy(gbufs[s], acc.at[didxs[s]], add=True)

        ifetch(0, 0)

        @pl.loop(0, _CHUNK)
        def _(r):
            @pl.loop(0, d, step=16)
            def _(j):
                gbuf0[r, pl.ds(j, 16)] = jnp.zeros((16,), jnp.float32)

        base_r = sid * rows_sub

        @pl.loop(0, rows_sub, step=_CHUNK)
        def _(r):
            pltpu.sync_copy(gbuf0, acc.at[pl.ds(base_r + r, _CHUNK)])

        plsc.subcore_barrier()

        @pl.loop(0, ncw, step=2)
        def _(c):
            for s in range(2):
                ck = c + s
                iwait(ck, s)
                pltpu.async_copy(y_hbm.at[sidxs[s]], gbufs[s], gsems[s])

                @pl.when(ck > 0)
                def _():
                    gwait_scatter(1 - s)

                @pl.when(ck + 1 < ncw)
                def _():
                    ifetch(ck + 1, 1 - s)

        gwait_scatter((ncw - 1) % 2)

        plsc.subcore_barrier()
        pltpu.sync_copy(acc.at[pl.ds(base_r, rows_sub)],
                        out_hbm.at[cid, pl.ds(base_r, rows_sub)])

    return k(y, srcp, dstp)


def _dis_block(d_ref, n):
    deg = d_ref[0, :, 0:1] + d_ref[1, :, 0:1] + 1.0
    row = (pl.program_id(0) * _RB
           + lax.broadcasted_iota(jnp.int32, (_RB, 1), 0))
    return jnp.where(row < n, lax.rsqrt(deg), 0.0)


def _dspec(d=128):
    return pl.BlockSpec((2, _RB, d), lambda i: (0, i, 0))


def _full(shape):
    nd = len(shape)
    return pl.BlockSpec(shape, lambda i: (0,) * nd)


def _tc_matmul(xpad, w1, npad):
    d_in = xpad.shape[1]
    d_hid = w1.shape[1]

    def body(x_ref, w_ref, y_ref):
        y_ref[...] = jnp.dot(x_ref[...], w_ref[...],
                             preferred_element_type=jnp.float32,
                             precision=lax.Precision.HIGHEST)

    return pl.pallas_call(
        body,
        grid=(npad // _RB,),
        in_specs=[
            pl.BlockSpec((_RB, d_in), lambda i: (i, 0)),
            _full((d_in, d_hid)),
        ],
        out_specs=pl.BlockSpec((_RB, d_hid), lambda i: (i, 0)),
        out_shape=jax.ShapeDtypeStruct((npad, d_hid), jnp.float32),
    )(xpad, w1)


def _tc_stage1(xw1, dacc, n, npad):
    d_hid = xw1.shape[1]

    def body(x_ref, d_ref, y_ref):
        y_ref[...] = x_ref[...] * _dis_block(d_ref, n)

    return pl.pallas_call(
        body,
        grid=(npad // _RB,),
        in_specs=[
            pl.BlockSpec((_RB, d_hid), lambda i: (i, 0)),
            _dspec(),
        ],
        out_specs=pl.BlockSpec((_RB, d_hid), lambda i: (i, 0)),
        out_shape=jax.ShapeDtypeStruct((npad, d_hid), jnp.float32),
    )(xw1, dacc)


def _tc_stage2(dacc, a1, y1, b1, w2a, w2b, xroot, n, npad):
    d_hid = y1.shape[1]
    d_out = w2a.shape[1]

    def body(d_ref, a_ref, y_ref, b_ref, wa_ref, wb_ref, xr_ref,
             y2_ref, c1_ref):
        dis = _dis_block(d_ref, n)
        s = a_ref[0, :, :] + a_ref[1, :, :] + y_ref[...]
        conv1 = dis * s + b_ref[...]
        h = jnp.maximum(conv1, 0.0)
        crow = jnp.dot(jnp.maximum(xr_ref[...], 0.0), wb_ref[...],
                       preferred_element_type=jnp.float32,
                       precision=lax.Precision.HIGHEST)
        xw2 = jnp.dot(h, wa_ref[...],
                      preferred_element_type=jnp.float32,
                      precision=lax.Precision.HIGHEST) + crow
        y2_ref[...] = xw2 * dis
        c1_ref[...] = conv1

    return pl.pallas_call(
        body,
        grid=(npad // _RB,),
        in_specs=[
            _dspec(),
            pl.BlockSpec((2, _RB, d_hid), lambda i: (0, i, 0)),
            pl.BlockSpec((_RB, d_hid), lambda i: (i, 0)),
            _full((1, d_hid)),
            _full((d_hid, d_out)),
            _full((d_hid, d_out)),
            _full((1, d_hid)),
        ],
        out_specs=(
            pl.BlockSpec((_RB, d_out), lambda i: (i, 0)),
            pl.BlockSpec((_RB, d_hid), lambda i: (i, 0)),
        ),
        out_shape=(
            jax.ShapeDtypeStruct((npad, d_out), jnp.float32),
            jax.ShapeDtypeStruct((npad, d_hid), jnp.float32),
        ),
    )(dacc, a1, y1, b1, w2a, w2b, xroot)


def _tc_stage3(dacc, a2, y2, b2, c1root, n, npad):
    d_out = y2.shape[1]
    d_hid = c1root.shape[1]
    d_feat = d_hid + d_out

    def body(d_ref, a_ref, y_ref, b_ref, r_ref, o_ref):
        dis = _dis_block(d_ref, n)
        s = a_ref[0, :, :] + a_ref[1, :, :] + y_ref[...]
        conv2 = dis * s + b_ref[...]
        r2 = jnp.maximum(conv2, 0.0)
        f = jnp.concatenate(
            [jnp.broadcast_to(r_ref[...], (_RB, d_hid)), r2], axis=1)
        o_ref[...] = (f[:, 0:d_feat - 2] + f[:, 1:d_feat - 1]
                      + f[:, 2:d_feat]) * (1.0 / 3.0)

    return pl.pallas_call(
        body,
        grid=(npad // _RB,),
        in_specs=[
            _dspec(),
            pl.BlockSpec((2, _RB, d_out), lambda i: (0, i, 0)),
            pl.BlockSpec((_RB, d_out), lambda i: (i, 0)),
            _full((1, d_out)),
            _full((1, d_hid)),
        ],
        out_specs=pl.BlockSpec((_RB, d_feat - 2), lambda i: (i, 0)),
        out_shape=jax.ShapeDtypeStruct((n, d_feat - 2), jnp.float32),
    )(dacc, a2, y2, b2, c1root)


def kernel(x, edge_index, rootIndex, W1, b1, W2, b2):
    n, d_in = x.shape
    d_hid = W1.shape[1]
    e = edge_index.shape[1]
    nw = _NC * _NS

    npad = _ceil_mult(n + 1, _NS * 16)
    assert npad % _RB == 0
    epad = _ceil_mult(e, nw * _CHUNK * 4)
    ncw = epad // (nw * _CHUNK)

    src = edge_index[0]
    dst = edge_index[1]
    pad = epad - e
    fill = jnp.full((pad,), n, jnp.int32)
    srcp = jnp.concatenate([src, fill])
    dstp = jnp.concatenate([dst, fill])
    xpad = jnp.concatenate(
        [x, jnp.zeros((npad - n, d_in), x.dtype)], axis=0)

    dacc = _sc_degree(dstp, npad, ncw, d_hid)
    xw1 = _tc_matmul(xpad, W1, npad)
    y1 = _tc_stage1(xw1, dacc, n, npad)
    a1 = _sc_spmm(y1, srcp, dstp, npad, ncw)
    xroot = lax.dynamic_slice_in_dim(x, rootIndex, 1, axis=0)
    y2, conv1 = _tc_stage2(dacc, a1, y1, b1.reshape(1, -1),
                           W2[:d_hid], W2[d_hid:], xroot, n, npad)
    a2 = _sc_spmm(y2, srcp, dstp, npad, ncw)
    c1root = lax.dynamic_slice_in_dim(conv1, rootIndex, 1, axis=0)
    return _tc_stage3(dacc, a2, y2, b2.reshape(1, -1), c1root, n, npad)

# --- scband reference (transcript-rebuilt; emitter-appended) ---
"""Pipeline reference for scband-gcn-34531537060237 (READ-ONLY COPY).

The authoritative reference and input builder live on the scoring server;
editing this copy changes nothing except your own understanding.
"""

import jax, jax.numpy as jnp
import numpy as np

N = 10000
E = 320000
D_IN = 128
D_HID = 128
D_OUT = 128


def setup_inputs(seed: int = 0) -> dict:
    key = jax.random.key(seed)
    k1, k2, k3, k4, k5, k6 = jax.random.split(key, 6)
    x = jax.random.normal(k1, (N, D_IN), dtype=jnp.float32)
    edge_index = jax.random.randint(k2, (2, E), 0, N, dtype=jnp.int32)
    rootIndex = 0
    W1 = jax.random.normal(k3, (D_IN, D_HID), dtype=jnp.float32) * (1.0 / np.sqrt(D_IN))
    b1 = jnp.zeros((D_HID,), dtype=jnp.float32)
    W2 = jax.random.normal(k4, (D_HID + D_IN, D_OUT), dtype=jnp.float32) * (1.0 / np.sqrt(D_HID + D_IN))
    b2 = jnp.zeros((D_OUT,), dtype=jnp.float32)
    return {"x": x, "edge_index": edge_index, "rootIndex": rootIndex,
            "W1": W1, "b1": b1, "W2": W2, "b2": b2}


def gcn_conv(x, edge_index, W, b):
    # GCNConv: D^{-1/2} (A + I) D^{-1/2} X W + b
    src = edge_index[0]
    dst = edge_index[1]
    loop = jnp.arange(N, dtype=src.dtype)
    src = jnp.concatenate([src, loop])
    dst = jnp.concatenate([dst, loop])
    deg = jnp.zeros((N,), x.dtype).at[dst].add(jnp.ones((src.shape[0],), x.dtype))
    dis = jax.lax.rsqrt(jnp.maximum(deg, 1e-12))
    norm = dis[src] * dis[dst]
    xw = x @ W
    msg = jnp.take(xw, src, axis=0) * norm[:, None]
    out = jnp.zeros((N, W.shape[1]), x.dtype).at[dst].add(msg)
    return out + b


def reference(x, edge_index, rootIndex, W1, b1, W2, b2):
    conv1_out = gcn_conv(x, edge_index, W1, b1)
    # postRoot = posts[rootIndex] broadcast to every node
    post_root = jnp.broadcast_to(x[rootIndex], (N, D_IN))
    conv1_root = jnp.broadcast_to(conv1_out[rootIndex], (N, D_HID))
    conv2_in = jnp.concatenate([conv1_out, post_root], axis=1)
    conv2_in = jax.nn.relu(conv2_in)
    # dropout: eval mode -> identity
    conv2_out = gcn_conv(conv2_in, edge_index, W2, b2)
    conv2_out = jax.nn.relu(conv2_out)
    feature = jnp.concatenate([conv1_root, conv2_out], axis=1)  # [N, D_HID+D_OUT]
    # avg_pool1d kernel_size=3 stride=1 along feature dim
    c = jnp.cumsum(feature, axis=1)
    c = jnp.concatenate([jnp.zeros((N, 1), feature.dtype), c], axis=1)
    pooled = (c[:, 3:] - c[:, :-3]) / 3.0  # [N, D_HID+D_OUT-2]
    return pooled

if __name__ == "__main__":
    import jax
    _d = setup_inputs()
    print(jax.jit(kernel)(*tuple(_d.values())))

</pallas_src>

<mosaic_0001>
#map = affine_map<(d0, d1) -> (0, 0)>
#map1 = affine_map<(d0, d1) -> (0)>
#map2 = affine_map<(d0, d1) -> (0, 0, 0)>
module attributes {stable_mosaic.version = 14 : i64} {
  func.func @k(%arg0: i32, %arg1: i32, %arg2: memref<10240x128xf32, #tpu.memory_space<hbm>>, %arg3: memref<327680xi32, #tpu.memory_space<hbm>>, %arg4: memref<327680xi32, #tpu.memory_space<hbm>>, %arg5: memref<2x10240x128xf32, #tpu.memory_space<hbm>>, %arg6: memref<128xi32, #tpu.memory_space<vmem>>, %arg7: memref<128xi32, #tpu.memory_space<vmem>>, %arg8: memref<128xi32, #tpu.memory_space<vmem>>, %arg9: memref<128xi32, #tpu.memory_space<vmem>>, %arg10: memref<128x128xf32, #tpu.memory_space<vmem>>, %arg11: memref<128x128xf32, #tpu.memory_space<vmem>>, %arg12: memref<10240x128xf32, #tpu.memory_space<vmem_shared>>, %arg13: memref<!tpu.dma_semaphore, #tpu.memory_space<semaphore_mem>>, %arg14: memref<!tpu.dma_semaphore, #tpu.memory_space<semaphore_mem>>, %arg15: memref<!tpu.dma_semaphore, #tpu.memory_space<semaphore_mem>>, %arg16: memref<!tpu.dma_semaphore, #tpu.memory_space<semaphore_mem>>) attributes {dimension_semantics = [#tpu.dimension_semantics<core_parallel>, #tpu.dimension_semantics<subcore_parallel>], iteration_bounds = array<i64: 2, 16>, scalar_prefetch = 0 : i64, scratch_operands = 11 : i64, tpu.core_type = #tpu.core_type<sc_vector_subcore>, window_params = [{transform_indices = #map}, {transform_indices = #map1}, {transform_indices = #map1}, {transform_indices = #map2}]} {
    %mul3A = arith.constant 2 : i32
    %mul3A_0 = arith.muli %arg1, %mul3A : i32
    %add3A = arith.addi %mul3A_0, %arg0 : i32
    %mul3A_1 = arith.constant 10240 : i32
    %mul3A_2 = arith.muli %add3A, %mul3A_1 : i32
    %add3A_3 = arith.constant 0 : i32
    %add3A_4 = arith.addi %mul3A_2, %add3A_3 : i32
    %dma_start3A = tpu.memref_slice %arg3[%add3A_4] : memref<327680xi32, #tpu.memory_space<hbm>> -> memref<128xi32, #tpu.memory_space<hbm>>
    %dma_start3A_5 = tpu.memref_slice %arg3[%add3A_4] : memref<327680xi32, #tpu.memory_space<hbm>> -> memref<128xi32, #tpu.memory_space<hbm>>
    tpu.enqueue_dma source(%dma_start3A_5 : memref<128xi32, #tpu.memory_space<hbm>>) target(%arg6 : memref<128xi32, #tpu.memory_space<vmem>>) target_semaphore(%arg13 : memref<!tpu.dma_semaphore, #tpu.memory_space<semaphore_mem>>)
    %dma_start3A_6 = tpu.memref_slice %arg4[%add3A_4] : memref<327680xi32, #tpu.memory_space<hbm>> -> memref<128xi32, #tpu.memory_space<hbm>>
    %dma_start3A_7 = tpu.memref_slice %arg4[%add3A_4] : memref<327680xi32, #tpu.memory_space<hbm>> -> memref<128xi32, #tpu.memory_space<hbm>>
    tpu.enqueue_dma source(%dma_start3A_7 : memref<128xi32, #tpu.memory_space<hbm>>) target(%arg8 : memref<128xi32, #tpu.memory_space<vmem>>) target_semaphore(%arg13 : memref<!tpu.dma_semaphore, #tpu.memory_space<semaphore_mem>>)
    %scan3A = arith.constant 0 : i32
    %scan3A_8 = arith.constant 128 : i32
    %scan3A_9 = arith.addi %scan3A, %scan3A_8 : i32
    %scan3A_10 = arith.constant 1 : i32
    scf.for %scan3A_27 = %scan3A to %scan3A_9 step %scan3A_10  : i32 {
      %mul3A_28 = arith.constant 1 : i32
      %mul3A_29 = arith.muli %scan3A_27, %mul3A_28 : i32
      %add3A_30 = arith.constant 0 : i32
      %add3A_31 = arith.addi %add3A_30, %mul3A_29 : i32
      %scan3A_32 = arith.constant 0 : i32
      %scan3A_33 = arith.constant 8 : i32
      %scan3A_34 = arith.addi %scan3A_32, %scan3A_33 : i32
      %scan3A_35 = arith.constant 1 : i32
      scf.for %scan3A_37 = %scan3A_32 to %scan3A_34 step %scan3A_35  : i32 {
        %mul3A_38 = arith.constant 16 : i32
        %mul3A_39 = arith.muli %scan3A_37, %mul3A_38 : i32
        %add3A_40 = arith.constant 0 : i32
        %add3A_41 = arith.addi %add3A_40, %mul3A_39 : i32
        %broadcast_in_dim3A = arith.constant 0.000000e+00 : f32
        %broadcast_in_dim3A_42 = vector.broadcast %broadcast_in_dim3A : f32 to vector<16xf32>
        %swap3A = arith.index_cast %add3A_31 : i32 to index
        %swap3A_43 = arith.index_cast %add3A_41 : i32 to index
        %swap3A_44 = tpu.vector_load %arg10[%swap3A, %swap3A_43] {strides = array<i32>} : memref<128x128xf32, #tpu.memory_space<vmem>>, vector<1x16xf32>,
        %swap3A_45 = vector.shape_cast %swap3A_44 : vector<1x16xf32> to vector<16xf32>
        %swap3A_46 = vector.shape_cast %broadcast_in_dim3A_42 : vector<16xf32> to vector<1x16xf32>
        tpu.vector_store %arg10[%swap3A, %swap3A_43], %swap3A_46 {strides = array<i32>} : memref<128x128xf32, #tpu.memory_space<vmem>>, vector<1x16xf32>,
      }
      %scan3A_36 = arith.constant 8 : i32
    }
    %scan3A_11 = arith.constant 128 : i32
    %mul3A_12 = arith.constant 640 : i32
    %mul3A_13 = arith.muli %arg1, %mul3A_12 : i32
    %scan3A_14 = arith.constant 0 : i32
    %scan3A_15 = arith.constant 5 : i32
    %scan3A_16 = arith.addi %scan3A_14, %scan3A_15 : i32
    %scan3A_17 = arith.constant 1 : i32
    scf.for %scan3A_27 = %scan3A_14 to %scan3A_16 step %scan3A_17  : i32 {
      %mul3A_28 = arith.constant 128 : i32
      %mul3A_29 = arith.muli %scan3A_27, %mul3A_28 : i32
      %add3A_30 = arith.constant 0 : i32
      %add3A_31 = arith.addi %add3A_30, %mul3A_29 : i32
      %add3A_32 = arith.addi %mul3A_13, %add3A_31 : i32
      "tpu.region"() ({
        %run_scoped3A = tpu.sem_alloc : memref<!tpu.dma_semaphore, #tpu.memory_space<semaphore_mem>>
        %dma_start3A_33 = arith.constant 0 : i32
        %dma_start3A_34 = tpu.memref_slice %arg12[%add3A_32, %dma_start3A_33] : memref<10240x128xf32, #tpu.memory_space<vmem_shared>> -> memref<128x128xf32, #tpu.memory_space<vmem_shared>>
        %dma_start3A_35 = arith.constant 0 : i32
        %dma_start3A_36 = tpu.memref_slice %arg12[%add3A_32, %dma_start3A_35] : memref<10240x128xf32, #tpu.memory_space<vmem_shared>> -> memref<128x128xf32, #tpu.memory_space<vmem_shared>>
        tpu.enqueue_dma source(%arg10 : memref<128x128xf32, #tpu.memory_space<vmem>>) target(%dma_start3A_36 : memref<128x128xf32, #tpu.memory_space<vmem_shared>>) target_semaphore(%run_scoped3A : memref<!tpu.dma_semaphore, #tpu.memory_space<semaphore_mem>>)
        %dma_wait3A_37 = arith.constant 0 : i32
        %dma_wait3A_38 = tpu.memref_slice %arg12[%add3A_32, %dma_wait3A_37] : memref<10240x128xf32, #tpu.memory_space<vmem_shared>> -> memref<128x128xf32, #tpu.memory_space<vmem_shared>>
        %dma_wait3A_39 = arith.constant 0 : i32
        %dma_wait3A_40 = tpu.memref_slice %arg12[%add3A_32, %dma_wait3A_39] : memref<10240x128xf32, #tpu.memory_space<vmem_shared>> -> memref<128x128xf32, #tpu.memory_space<vmem_shared>>
        tpu.wait_dma2 semaphore(%run_scoped3A : memref<!tpu.dma_semaphore, #tpu.memory_space<semaphore_mem>>) src(%arg10 : memref<128x128xf32, #tpu.memory_space<vmem>>) dst(%dma_wait3A_40 : memref<128x128xf32, #tpu.memory_space<vmem_shared>>)
        tpu.yield
      }) : () -> ()
    }
    %scan3A_18 = arith.constant 5 : i32
    %barrier3A = arith.constant 0 : index
    tpu.barrier barrier_id(%barrier3A)
    %scan3A_19 = arith.constant 0 : i32
    %scan3A_20 = arith.constant 40 : i32
    %scan3A_21 = arith.addi %scan3A_19, %scan3A_20 : i32
    %scan3A_22 = arith.constant 1 : i32
    scf.for %scan3A_27 = %scan3A_19 to %scan3A_21 step %scan3A_22  : i32 {
      %mul3A_28 = arith.constant 2 : i32
      %mul3A_29 = arith.muli %scan3A_27, %mul3A_28 : i32
      %add3A_30 = arith.constant 0 : i32
      %add3A_31 = arith.addi %add3A_30, %mul3A_29 : i32
      %add3A_32 = arith.constant 0 : i32
      %add3A_33 = arith.addi %add3A_31, %add3A_32 : i32
      %mul3A_34 = arith.constant 128 : i32
      %mul3A_35 = arith.muli %add3A_33, %mul3A_34 : i32
      %add3A_36 = arith.addi %mul3A_2, %mul3A_35 : i32
      %dma_wait3A_37 = tpu.memref_slice %arg3[%add3A_36] : memref<327680xi32, #tpu.memory_space<hbm>> -> memref<128xi32, #tpu.memory_space<hbm>>
      %dma_wait3A_38 = tpu.memref_slice %arg3[%add3A_36] : memref<327680xi32, #tpu.memory_space<hbm>> -> memref<128xi32, #tpu.memory_space<hbm>>
      tpu.wait_dma2 semaphore(%arg13 : memref<!tpu.dma_semaphore, #tpu.memory_space<semaphore_mem>>) src(%dma_wait3A_38 : memref<128xi32, #tpu.memory_space<hbm>>) dst(%arg6 : memref<128xi32, #tpu.memory_space<vmem>>)
      %dma_wait3A_39 = tpu.memref_slice %arg4[%add3A_36] : memref<327680xi32, #tpu.memory_space<hbm>> -> memref<128xi32, #tpu.memory_space<hbm>>
      %dma_wait3A_40 = tpu.memref_slice %arg4[%add3A_36] : memref<327680xi32, #tpu.memory_space<hbm>> -> memref<128xi32, #tpu.memory_space<hbm>>
      tpu.wait_dma2 semaphore(%arg13 : memref<!tpu.dma_semaphore, #tpu.memory_space<semaphore_mem>>) src(%dma_wait3A_40 : memref<128xi32, #tpu.memory_space<hbm>>) dst(%arg8 : memref<128xi32, #tpu.memory_space<vmem>>)
      %dma_start3A_41 = arith.constant 0 : i32
      %dma_start3A_42 = arith.constant 0 : i32
      %dma_start3A_43 = tpu.memref_slice %arg2[%dma_start3A_41, %dma_start3A_42] : memref<10240x128xf32, #tpu.memory_space<hbm>> -> memref<10240x128xf32, #tpu.memory_space<hbm>>
      tpu.enqueue_indirect_dma source(%dma_start3A_43 : memref<10240x128xf32, #tpu.memory_space<hbm>>) target(%arg10 : memref<128x128xf32, #tpu.memory_space<vmem>>) offsets(%arg6 : memref<128xi32, #tpu.memory_space<vmem>>) semaphore(%arg15 : memref<!tpu.dma_semaphore, #tpu.memory_space<semaphore_mem>>)
      %gt3A = arith.constant 0 : i32
      %gt3A_44 = arith.cmpi sgt, %add3A_33, %gt3A : i32
      %convert_element_type3A = arith.extui %gt3A_44 : i1 to i32
      %cond3A = arith.constant 0 : i32
      %cond3A_45 = arith.cmpi ne, %convert_element_type3A, %cond3A : i32
      scf.if %cond3A_45 {
        %dma_wait3A_76 = arith.constant 0 : i32
        %dma_wait3A_77 = arith.constant 0 : i32
        %dma_wait3A_78 = tpu.memref_slice %arg2[%dma_wait3A_76, %dma_wait3A_77] : memref<10240x128xf32, #tpu.memory_space<hbm>> -> memref<10240x128xf32, #tpu.memory_space<hbm>>
        tpu.wait_indirect_dma semaphore(%arg16 : memref<!tpu.dma_semaphore, #tpu.memory_space<semaphore_mem>>) src(%dma_wait3A_78 : memref<10240x128xf32, #tpu.memory_space<hbm>>) dst(%arg11 : memref<128x128xf32, #tpu.memory_space<vmem>>)
        "tpu.region"() ({
          %run_scoped3A = tpu.sem_alloc : memref<!tpu.dma_semaphore, #tpu.memory_space<semaphore_mem>>
          %dma_start3A_79 = arith.constant 0 : i32
          %dma_start3A_80 = arith.constant 0 : i32
          %dma_start3A_81 = tpu.memref_slice %arg12[%dma_start3A_79, %dma_start3A_80] : memref<10240x128xf32, #tpu.memory_space<vmem_shared>> -> memref<10240x128xf32, #tpu.memory_space<vmem_shared>>
          tpu.enqueue_indirect_dma source(%arg11 : memref<128x128xf32, #tpu.memory_space<vmem>>) target(%dma_start3A_81 : memref<10240x128xf32, #tpu.memory_space<vmem_shared>>) offsets(%arg9 : memref<128xi32, #tpu.memory_space<vmem>>) semaphore(%run_scoped3A : memref<!tpu.dma_semaphore, #tpu.memory_space<semaphore_mem>>) {add = true}
          %dma_wait3A_82 = arith.constant 0 : i32
          %dma_wait3A_83 = arith.constant 0 : i32
          %dma_wait3A_84 = tpu.memref_slice %arg12[%dma_wait3A_82, %dma_wait3A_83] : memref<10240x128xf32, #tpu.memory_space<vmem_shared>> -> memref<10240x128xf32, #tpu.memory_space<vmem_shared>>
          tpu.wait_indirect_dma semaphore(%run_scoped3A : memref<!tpu.dma_semaphore, #tpu.memory_space<semaphore_mem>>) src(%arg11 : memref<128x128xf32, #tpu.memory_space<vmem>>) dst(%dma_wait3A_84 : memref<10240x128xf32, #tpu.memory_space<vmem_shared>>)
          tpu.yield
        }) : () -> ()
      } else {
      }
      %add3A_46 = arith.constant 1 : i32
      %add3A_47 = arith.addi %add3A_33, %add3A_46 : i32
      %lt3A = arith.constant 80 : i32
      %lt3A_48 = arith.cmpi slt, %add3A_47, %lt3A : i32
      %convert_element_type3A_49 = arith.extui %lt3A_48 : i1 to i32
      %cond3A_50 = arith.constant 0 : i32
      %cond3A_51 = arith.cmpi ne, %convert_element_type3A_49, %cond3A_50 : i32
      scf.if %cond3A_51 {
        %add3A_76 = arith.constant 1 : i32
        %add3A_77 = arith.addi %add3A_33, %add3A_76 : i32
        %mul3A_78 = arith.constant 128 : i32
        %mul3A_79 = arith.muli %add3A_77, %mul3A_78 : i32
        %add3A_80 = arith.addi %mul3A_2, %mul3A_79 : i32
        %dma_start3A_81 = tpu.memref_slice %arg3[%add3A_80] : memref<327680xi32, #tpu.memory_space<hbm>> -> memref<128xi32, #tpu.memory_space<hbm>>
        %dma_start3A_82 = tpu.memref_slice %arg3[%add3A_80] : memref<327680xi32, #tpu.memory_space<hbm>> -> memref<128xi32, #tpu.memory_space<hbm>>
        tpu.enqueue_dma source(%dma_start3A_82 : memref<128xi32, #tpu.memory_space<hbm>>) target(%arg7 : memref<128xi32, #tpu.memory_space<vmem>>) target_semaphore(%arg14 : memref<!tpu.dma_semaphore, #tpu.memory_space<semaphore_mem>>)
        %dma_start3A_83 = tpu.memref_slice %arg4[%add3A_80] : memref<327680xi32, #tpu.memory_space<hbm>> -> memref<128xi32, #tpu.memory_space<hbm>>
        %dma_start3A_84 = tpu.memref_slice %arg4[%add3A_80] : memref<327680xi32, #tpu.memory_space<hbm>> -> memref<128xi32, #tpu.memory_space<hbm>>
        tpu.enqueue_dma source(%dma_start3A_84 : memref<128xi32, #tpu.memory_space<hbm>>) target(%arg9 : memref<128xi32, #tpu.memory_space<vmem>>) target_semaphore(%arg14 : memref<!tpu.dma_semaphore, #tpu.memory_space<semaphore_mem>>)
      } else {
      }
      %add3A_52 = arith.constant 1 : i32
      %add3A_53 = arith.addi %add3A_31, %add3A_52 : i32
      %mul3A_54 = arith.constant 128 : i32
      %mul3A_55 = arith.muli %add3A_53, %mul3A_54 : i32
      %add3A_56 = arith.addi %mul3A_2, %mul3A_55 : i32
      %dma_wait3A_57 = tpu.memref_slice %arg3[%add3A_56] : memref<327680xi32, #tpu.memory_space<hbm>> -> memref<128xi32, #tpu.memory_space<hbm>>
      %dma_wait3A_58 = tpu.memref_slice %arg3[%add3A_56] : memref<327680xi32, #tpu.memory_space<hbm>> -> memref<128xi32, #tpu.memory_space<hbm>>
      tpu.wait_dma2 semaphore(%arg14 : memref<!tpu.dma_semaphore, #tpu.memory_space<semaphore_mem>>) src(%dma_wait3A_58 : memref<128xi32, #tpu.memory_space<hbm>>) dst(%arg7 : memref<128xi32, #tpu.memory_space<vmem>>)
      %dma_wait3A_59 = tpu.memref_slice %arg4[%add3A_56] : memref<327680xi32, #tpu.memory_space<hbm>> -> memref<128xi32, #tpu.memory_space<hbm>>
      %dma_wait3A_60 = tpu.memref_slice %arg4[%add3A_56] : memref<327680xi32, #tpu.memory_space<hbm>> -> memref<128xi32, #tpu.memory_space<hbm>>
      tpu.wait_dma2 semaphore(%arg14 : memref<!tpu.dma_semaphore, #tpu.memory_space<semaphore_mem>>) src(%dma_wait3A_60 : memref<128xi32, #tpu.memory_space<hbm>>) dst(%arg9 : memref<128xi32, #tpu.memory_space<vmem>>)
      %dma_start3A_61 = arith.constant 0 : i32
      %dma_start3A_62 = arith.constant 0 : i32
      %dma_start3A_63 = tpu.memref_slice %arg2[%dma_start3A_61, %dma_start3A_62] : memref<10240x128xf32, #tpu.memory_space<hbm>> -> memref<10240x128xf32, #tpu.memory_space<hbm>>
      tpu.enqueue_indirect_dma source(%dma_start3A_63 : memref<10240x128xf32, #tpu.memory_space<hbm>>) target(%arg11 : memref<128x128xf32, #tpu.memory_space<vmem>>) offsets(%arg7 : memref<128xi32, #tpu.memory_space<vmem>>) semaphore(%arg16 : memref<!tpu.dma_semaphore, #tpu.memory_space<semaphore_mem>>)
      %gt3A_64 = arith.constant 0 : i32
      %gt3A_65 = arith.cmpi sgt, %add3A_53, %gt3A_64 : i32
      %convert_element_type3A_66 = arith.extui %gt3A_65 : i1 to i32
      %cond3A_67 = arith.constant 0 : i32
      %cond3A_68 = arith.cmpi ne, %convert_element_type3A_66, %cond3A_67 : i32
      scf.if %cond3A_68 {
        %dma_wait3A_76 = arith.constant 0 : i32
        %dma_wait3A_77 = arith.constant 0 : i32
        %dma_wait3A_78 = tpu.memref_slice %arg2[%dma_wait3A_76, %dma_wait3A_77] : memref<10240x128xf32, #tpu.memory_space<hbm>> -> memref<10240x128xf32, #tpu.memory_space<hbm>>
        tpu.wait_indirect_dma semaphore(%arg15 : memref<!tpu.dma_semaphore, #tpu.memory_space<semaphore_mem>>) src(%dma_wait3A_78 : memref<10240x128xf32, #tpu.memory_space<hbm>>) dst(%arg10 : memref<128x128xf32, #tpu.memory_space<vmem>>)
        "tpu.region"() ({
          %run_scoped3A = tpu.sem_alloc : memref<!tpu.dma_semaphore, #tpu.memory_space<semaphore_mem>>
          %dma_start3A_79 = arith.constant 0 : i32
          %dma_start3A_80 = arith.constant 0 : i32
          %dma_start3A_81 = tpu.memref_slice %arg12[%dma_start3A_79, %dma_start3A_80] : memref<10240x128xf32, #tpu.memory_space<vmem_shared>> -> memref<10240x128xf32, #tpu.memory_space<vmem_shared>>
          tpu.enqueue_indirect_dma source(%arg10 : memref<128x128xf32, #tpu.memory_space<vmem>>) target(%dma_start3A_81 : memref<10240x128xf32, #tpu.memory_space<vmem_shared>>) offsets(%arg8 : memref<128xi32, #tpu.memory_space<vmem>>) semaphore(%run_scoped3A : memref<!tpu.dma_semaphore, #tpu.memory_space<semaphore_mem>>) {add = true}
          %dma_wait3A_82 = arith.constant 0 : i32
          %dma_wait3A_83 = arith.constant 0 : i32
          %dma_wait3A_84 = tpu.memref_slice %arg12[%dma_wait3A_82, %dma_wait3A_83] : memref<10240x128xf32, #tpu.memory_space<vmem_shared>> -> memref<10240x128xf32, #tpu.memory_space<vmem_shared>>
          tpu.wait_indirect_dma semaphore(%run_scoped3A : memref<!tpu.dma_semaphore, #tpu.memory_space<semaphore_mem>>) src(%arg10 : memref<128x128xf32, #tpu.memory_space<vmem>>) dst(%dma_wait3A_84 : memref<10240x128xf32, #tpu.memory_space<vmem_shared>>)
          tpu.yield
        }) : () -> ()
      } else {
      }
      %add3A_69 = arith.constant 1 : i32
      %add3A_70 = arith.addi %add3A_53, %add3A_69 : i32
      %lt3A_71 = arith.constant 80 : i32
      %lt3A_72 = arith.cmpi slt, %add3A_70, %lt3A_71 : i32
      %convert_element_type3A_73 = arith.extui %lt3A_72 : i1 to i32
      %cond3A_74 = arith.constant 0 : i32
      %cond3A_75 = arith.cmpi ne, %convert_element_type3A_73, %cond3A_74 : i32
      scf.if %cond3A_75 {
        %add3A_76 = arith.constant 1 : i32
        %add3A_77 = arith.addi %add3A_53, %add3A_76 : i32
        %mul3A_78 = arith.constant 128 : i32
        %mul3A_79 = arith.muli %add3A_77, %mul3A_78 : i32
        %add3A_80 = arith.addi %mul3A_2, %mul3A_79 : i32
        %dma_start3A_81 = tpu.memref_slice %arg3[%add3A_80] : memref<327680xi32, #tpu.memory_space<hbm>> -> memref<128xi32, #tpu.memory_space<hbm>>
        %dma_start3A_82 = tpu.memref_slice %arg3[%add3A_80] : memref<327680xi32, #tpu.memory_space<hbm>> -> memref<128xi32, #tpu.memory_space<hbm>>
        tpu.enqueue_dma source(%dma_start3A_82 : memref<128xi32, #tpu.memory_space<hbm>>) target(%arg6 : memref<128xi32, #tpu.memory_space<vmem>>) target_semaphore(%arg13 : memref<!tpu.dma_semaphore, #tpu.memory_space<semaphore_mem>>)
        %dma_start3A_83 = tpu.memref_slice %arg4[%add3A_80] : memref<327680xi32, #tpu.memory_space<hbm>> -> memref<128xi32, #tpu.memory_space<hbm>>
        %dma_start3A_84 = tpu.memref_slice %arg4[%add3A_80] : memref<327680xi32, #tpu.memory_space<hbm>> -> memref<128xi32, #tpu.memory_space<hbm>>
        tpu.enqueue_dma source(%dma_start3A_84 : memref<128xi32, #tpu.memory_space<hbm>>) target(%arg8 : memref<128xi32, #tpu.memory_space<vmem>>) target_semaphore(%arg13 : memref<!tpu.dma_semaphore, #tpu.memory_space<semaphore_mem>>)
      } else {
      }
    }
    %scan3A_23 = arith.constant 40 : i32
    %dma_wait3A = arith.constant 0 : i32
    %dma_wait3A_24 = arith.constant 0 : i32
    %dma_wait3A_25 = tpu.memref_slice %arg2[%dma_wait3A, %dma_wait3A_24] : memref<10240x128xf32, #tpu.memory_space<hbm>> -> memref<10240x128xf32, #tpu.memory_space<hbm>>
    tpu.wait_indirect_dma semaphore(%arg16 : memref<!tpu.dma_semaphore, #tpu.memory_space<semaphore_mem>>) src(%dma_wait3A_25 : memref<10240x128xf32, #tpu.memory_space<hbm>>) dst(%arg11 : memref<128x128xf32, #tpu.memory_space<vmem>>)
    "tpu.region"() ({
      %run_scoped3A = tpu.sem_alloc : memref<!tpu.dma_semaphore, #tpu.memory_space<semaphore_mem>>
      %dma_start3A_27 = arith.constant 0 : i32
      %dma_start3A_28 = arith.constant 0 : i32
      %dma_start3A_29 = tpu.memref_slice %arg12[%dma_start3A_27, %dma_start3A_28] : memref<10240x128xf32, #tpu.memory_space<vmem_shared>> -> memref<10240x128xf32, #tpu.memory_space<vmem_shared>>
      tpu.enqueue_indirect_dma source(%arg11 : memref<128x128xf32, #tpu.memory_space<vmem>>) target(%dma_start3A_29 : memref<10240x128xf32, #tpu.memory_space<vmem_shared>>) offsets(%arg9 : memref<128xi32, #tpu.memory_space<vmem>>) semaphore(%run_scoped3A : memref<!tpu.dma_semaphore, #tpu.memory_space<semaphore_mem>>) {add = true}
      %dma_wait3A_30 = arith.constant 0 : i32
      %dma_wait3A_31 = arith.constant 0 : i32
      %dma_wait3A_32 = tpu.memref_slice %arg12[%dma_wait3A_30, %dma_wait3A_31] : memref<10240x128xf32, #tpu.memory_space<vmem_shared>> -> memref<10240x128xf32, #tpu.memory_space<vmem_shared>>
      tpu.wait_indirect_dma semaphore(%run_scoped3A : memref<!tpu.dma_semaphore, #tpu.memory_space<semaphore_mem>>) src(%arg11 : memref<128x128xf32, #tpu.memory_space<vmem>>) dst(%dma_wait3A_32 : memref<10240x128xf32, #tpu.memory_space<vmem_shared>>)
      tpu.yield
    }) : () -> ()
    %barrier3A_26 = arith.constant 0 : index
    tpu.barrier barrier_id(%barrier3A_26)
    "tpu.region"() ({
      %run_scoped3A = tpu.sem_alloc : memref<!tpu.dma_semaphore, #tpu.memory_space<semaphore_mem>>
      %dma_start3A_27 = arith.constant 0 : i32
      %dma_start3A_28 = tpu.memref_slice %arg5[%arg0, %mul3A_13, %dma_start3A_27] : memref<2x10240x128xf32, #tpu.memory_space<hbm>> -> memref<1x640x128xf32, #tpu.memory_space<hbm>>
      %dma_start3A_29 = tpu.memref_squeeze %dma_start3A_28 : memref<1x640x128xf32, #tpu.memory_space<hbm>> -> memref<640x128xf32, #tpu.memory_space<hbm>>
      %dma_start3A_30 = arith.constant 0 : i32
      %dma_start3A_31 = tpu.memref_slice %arg12[%mul3A_13, %dma_start3A_30] : memref<10240x128xf32, #tpu.memory_space<vmem_shared>> -> memref<640x128xf32, #tpu.memory_space<vmem_shared>>
      tpu.enqueue_dma source(%dma_start3A_31 : memref<640x128xf32, #tpu.memory_space<vmem_shared>>) target(%dma_start3A_29 : memref<640x128xf32, #tpu.memory_space<hbm>>) target_semaphore(%run_scoped3A : memref<!tpu.dma_semaphore, #tpu.memory_space<semaphore_mem>>)
      %dma_wait3A_32 = arith.constant 0 : i32
      %dma_wait3A_33 = tpu.memref_slice %arg5[%arg0, %mul3A_13, %dma_wait3A_32] : memref<2x10240x128xf32, #tpu.memory_space<hbm>> -> memref<1x640x128xf32, #tpu.memory_space<hbm>>
      %dma_wait3A_34 = tpu.memref_squeeze %dma_wait3A_33 : memref<1x640x128xf32, #tpu.memory_space<hbm>> -> memref<640x128xf32, #tpu.memory_space<hbm>>
      %dma_wait3A_35 = arith.constant 0 : i32
      %dma_wait3A_36 = tpu.memref_slice %arg12[%mul3A_13, %dma_wait3A_35] : memref<10240x128xf32, #tpu.memory_space<vmem_shared>> -> memref<640x128xf32, #tpu.memory_space<vmem_shared>>
      tpu.wait_dma2 semaphore(%run_scoped3A : memref<!tpu.dma_semaphore, #tpu.memory_space<semaphore_mem>>) src(%dma_wait3A_36 : memref<640x128xf32, #tpu.memory_space<vmem_shared>>) dst(%dma_wait3A_34 : memref<640x128xf32, #tpu.memory_space<hbm>>)
      tpu.yield
    }) : () -> ()
    return
  }
}

#map = affine_map<(d0, d1) -> (0, 0)>
#map1 = affine_map<(d0, d1) -> (0)>
#map2 = affine_map<(d0, d1) -> (0, 0, 0)>
module attributes {stable_mosaic.version = 14 : i64} {
  func.func @k(%arg0: i32, %arg1: i32, %arg2: memref<10240x128xf32, #tpu.memory_space<hbm>>, %arg3: memref<327680xi32, #tpu.memory_space<hbm>>, %arg4: memref<327680xi32, #tpu.memory_space<hbm>>, %arg5: memref<2x10240x128xf32, #tpu.memory_space<hbm>>, %arg6: memref<128xi32, #tpu.memory_space<vmem>>, %arg7: memref<128xi32, #tpu.memory_space<vmem>>, %arg8: memref<128xi32, #tpu.memory_space<vmem>>, %arg9: memref<128xi32, #tpu.memory_space<vmem>>, %arg10: memref<128x128xf32, #tpu.memory_space<vmem>>, %arg11: memref<128x128xf32, #tpu.memory_space<vmem>>, %arg12: memref<10240x128xf32, #tpu.memory_space<vmem_shared>>, %arg13: memref<!tpu.dma_semaphore, #tpu.memory_space<semaphore_mem>>, %arg14: memref<!tpu.dma_semaphore, #tpu.memory_space<semaphore_mem>>, %arg15: memref<!tpu.dma_semaphore, #tpu.memory_space<semaphore_mem>>, %arg16: memref<!tpu.dma_semaphore, #tpu.memory_space<semaphore_mem>>) attributes {dimension_semantics = [#tpu.dimension_semantics<core_parallel>, #tpu.dimension_semantics<subcore_parallel>], iteration_bounds = array<i64: 2, 16>, scalar_prefetch = 0 : i64, scratch_operands = 11 : i64, tpu.core_type = #tpu.core_type<sc_vector_subcore>, window_params = [{transform_indices = #map}, {transform_indices = #map1}, {transform_indices = #map1}, {transform_indices = #map2}]} {
    %mul3A = arith.constant 2 : i32
    %mul3A_0 = arith.muli %arg1, %mul3A : i32
    %add3A = arith.addi %mul3A_0, %arg0 : i32
    %mul3A_1 = arith.constant 10240 : i32
    %mul3A_2 = arith.muli %add3A, %mul3A_1 : i32
    %add3A_3 = arith.constant 0 : i32
    %add3A_4 = arith.addi %mul3A_2, %add3A_3 : i32
    %dma_start3A = tpu.memref_slice %arg3[%add3A_4] : memref<327680xi32, #tpu.memory_space<hbm>> -> memref<128xi32, #tpu.memory_space<hbm>>
    %dma_start3A_5 = tpu.memref_slice %arg3[%add3A_4] : memref<327680xi32, #tpu.memory_space<hbm>> -> memref<128xi32, #tpu.memory_space<hbm>>
    tpu.enqueue_dma source(%dma_start3A_5 : memref<128xi32, #tpu.memory_space<hbm>>) target(%arg6 : memref<128xi32, #tpu.memory_space<vmem>>) target_semaphore(%arg13 : memref<!tpu.dma_semaphore, #tpu.memory_space<semaphore_mem>>)
    %dma_start3A_6 = tpu.memref_slice %arg4[%add3A_4] : memref<327680xi32, #tpu.memory_space<hbm>> -> memref<128xi32, #tpu.memory_space<hbm>>
    %dma_start3A_7 = tpu.memref_slice %arg4[%add3A_4] : memref<327680xi32, #tpu.memory_space<hbm>> -> memref<128xi32, #tpu.memory_space<hbm>>
    tpu.enqueue_dma source(%dma_start3A_7 : memref<128xi32, #tpu.memory_space<hbm>>) target(%arg8 : memref<128xi32, #tpu.memory_space<vmem>>) target_semaphore(%arg13 : memref<!tpu.dma_semaphore, #tpu.memory_space<semaphore_mem>>)
    %scan3A = arith.constant 0 : i32
    %scan3A_8 = arith.constant 128 : i32
    %scan3A_9 = arith.addi %scan3A, %scan3A_8 : i32
    %scan3A_10 = arith.constant 1 : i32
    scf.for %scan3A_27 = %scan3A to %scan3A_9 step %scan3A_10  : i32 {
      %mul3A_28 = arith.constant 1 : i32
      %mul3A_29 = arith.muli %scan3A_27, %mul3A_28 : i32
      %add3A_30 = arith.constant 0 : i32
      %add3A_31 = arith.addi %add3A_30, %mul3A_29 : i32
      %scan3A_32 = arith.constant 0 : i32
      %scan3A_33 = arith.constant 8 : i32
      %scan3A_34 = arith.addi %scan3A_32, %scan3A_33 : i32
      %scan3A_35 = arith.constant 1 : i32
      scf.for %scan3A_37 = %scan3A_32 to %scan3A_34 step %scan3A_35  : i32 {
        %mul3A_38 = arith.constant 16 : i32
        %mul3A_39 = arith.muli %scan3A_37, %mul3A_38 : i32
        %add3A_40 = arith.constant 0 : i32
        %add3A_41 = arith.addi %add3A_40, %mul3A_39 : i32
        %broadcast_in_dim3A = arith.constant 0.000000e+00 : f32
        %broadcast_in_dim3A_42 = vector.broadcast %broadcast_in_dim3A : f32 to vector<16xf32>
        %swap3A = arith.index_cast %add3A_31 : i32 to index
        %swap3A_43 = arith.index_cast %add3A_41 : i32 to index
        %swap3A_44 = tpu.vector_load %arg10[%swap3A, %swap3A_43] {strides = array<i32>} : memref<128x128xf32, #tpu.memory_space<vmem>>, vector<1x16xf32>,
        %swap3A_45 = vector.shape_cast %swap3A_44 : vector<1x16xf32> to vector<16xf32>
        %swap3A_46 = vector.shape_cast %broadcast_in_dim3A_42 : vector<16xf32> to vector<1x16xf32>
        tpu.vector_store %arg10[%swap3A, %swap3A_43], %swap3A_46 {strides = array<i32>} : memref<128x128xf32, #tpu.memory_space<vmem>>, vector<1x16xf32>,
      }
      %scan3A_36 = arith.constant 8 : i32
    }
    %scan3A_11 = arith.constant 128 : i32
    %mul3A_12 = arith.constant 640 : i32
    %mul3A_13 = arith.muli %arg1, %mul3A_12 : i32
    %scan3A_14 = arith.constant 0 : i32
    %scan3A_15 = arith.constant 5 : i32
    %scan3A_16 = arith.addi %scan3A_14, %scan3A_15 : i32
    %scan3A_17 = arith.constant 1 : i32
    scf.for %scan3A_27 = %scan3A_14 to %scan3A_16 step %scan3A_17  : i32 {
      %mul3A_28 = arith.constant 128 : i32
      %mul3A_29 = arith.muli %scan3A_27, %mul3A_28 : i32
      %add3A_30 = arith.constant 0 : i32
      %add3A_31 = arith.addi %add3A_30, %mul3A_29 : i32
      %add3A_32 = arith.addi %mul3A_13, %add3A_31 : i32
      "tpu.region"() ({
        %run_scoped3A = tpu.sem_alloc : memref<!tpu.dma_semaphore, #tpu.memory_space<semaphore_mem>>
        %dma_start3A_33 = arith.constant 0 : i32
        %dma_start3A_34 = tpu.memref_slice %arg12[%add3A_32, %dma_start3A_33] : memref<10240x128xf32, #tpu.memory_space<vmem_shared>> -> memref<128x128xf32, #tpu.memory_space<vmem_shared>>
        %dma_start3A_35 = arith.constant 0 : i32
        %dma_start3A_36 = tpu.memref_slice %arg12[%add3A_32, %dma_start3A_35] : memref<10240x128xf32, #tpu.memory_space<vmem_shared>> -> memref<128x128xf32, #tpu.memory_space<vmem_shared>>
        tpu.enqueue_dma source(%arg10 : memref<128x128xf32, #tpu.memory_space<vmem>>) target(%dma_start3A_36 : memref<128x128xf32, #tpu.memory_space<vmem_shared>>) target_semaphore(%run_scoped3A : memref<!tpu.dma_semaphore, #tpu.memory_space<semaphore_mem>>)
        %dma_wait3A_37 = arith.constant 0 : i32
        %dma_wait3A_38 = tpu.memref_slice %arg12[%add3A_32, %dma_wait3A_37] : memref<10240x128xf32, #tpu.memory_space<vmem_shared>> -> memref<128x128xf32, #tpu.memory_space<vmem_shared>>
        %dma_wait3A_39 = arith.constant 0 : i32
        %dma_wait3A_40 = tpu.memref_slice %arg12[%add3A_32, %dma_wait3A_39] : memref<10240x128xf32, #tpu.memory_space<vmem_shared>> -> memref<128x128xf32, #tpu.memory_space<vmem_shared>>
        tpu.wait_dma2 semaphore(%run_scoped3A : memref<!tpu.dma_semaphore, #tpu.memory_space<semaphore_mem>>) src(%arg10 : memref<128x128xf32, #tpu.memory_space<vmem>>) dst(%dma_wait3A_40 : memref<128x128xf32, #tpu.memory_space<vmem_shared>>)
        tpu.yield
      }) : () -> ()
    }
    %scan3A_18 = arith.constant 5 : i32
    %barrier3A = arith.constant 0 : index
    tpu.barrier barrier_id(%barrier3A)
    %scan3A_19 = arith.constant 0 : i32
    %scan3A_20 = arith.constant 40 : i32
    %scan3A_21 = arith.addi %scan3A_19, %scan3A_20 : i32
    %scan3A_22 = arith.constant 1 : i32
    scf.for %scan3A_27 = %scan3A_19 to %scan3A_21 step %scan3A_22  : i32 {
      %mul3A_28 = arith.constant 2 : i32
      %mul3A_29 = arith.muli %scan3A_27, %mul3A_28 : i32
      %add3A_30 = arith.constant 0 : i32
      %add3A_31 = arith.addi %add3A_30, %mul3A_29 : i32
      %add3A_32 = arith.constant 0 : i32
      %add3A_33 = arith.addi %add3A_31, %add3A_32 : i32
      %mul3A_34 = arith.constant 128 : i32
      %mul3A_35 = arith.muli %add3A_33, %mul3A_34 : i32
      %add3A_36 = arith.addi %mul3A_2, %mul3A_35 : i32
      %dma_wait3A_37 = tpu.memref_slice %arg3[%add3A_36] : memref<327680xi32, #tpu.memory_space<hbm>> -> memref<128xi32, #tpu.memory_space<hbm>>
      %dma_wait3A_38 = tpu.memref_slice %arg3[%add3A_36] : memref<327680xi32, #tpu.memory_space<hbm>> -> memref<128xi32, #tpu.memory_space<hbm>>
      tpu.wait_dma2 semaphore(%arg13 : memref<!tpu.dma_semaphore, #tpu.memory_space<semaphore_mem>>) src(%dma_wait3A_38 : memref<128xi32, #tpu.memory_space<hbm>>) dst(%arg6 : memref<128xi32, #tpu.memory_space<vmem>>)
      %dma_wait3A_39 = tpu.memref_slice %arg4[%add3A_36] : memref<327680xi32, #tpu.memory_space<hbm>> -> memref<128xi32, #tpu.memory_space<hbm>>
      %dma_wait3A_40 = tpu.memref_slice %arg4[%add3A_36] : memref<327680xi32, #tpu.memory_space<hbm>> -> memref<128xi32, #tpu.memory_space<hbm>>
      tpu.wait_dma2 semaphore(%arg13 : memref<!tpu.dma_semaphore, #tpu.memory_space<semaphore_mem>>) src(%dma_wait3A_40 : memref<128xi32, #tpu.memory_space<hbm>>) dst(%arg8 : memref<128xi32, #tpu.memory_space<vmem>>)
      %dma_start3A_41 = arith.constant 0 : i32
      %dma_start3A_42 = arith.constant 0 : i32
      %dma_start3A_43 = tpu.memref_slice %arg2[%dma_start3A_41, %dma_start3A_42] : memref<10240x128xf32, #tpu.memory_space<hbm>> -> memref<10240x128xf32, #tpu.memory_space<hbm>>
      tpu.enqueue_indirect_dma source(%dma_start3A_43 : memref<10240x128xf32, #tpu.memory_space<hbm>>) target(%arg10 : memref<128x128xf32, #tpu.memory_space<vmem>>) offsets(%arg6 : memref<128xi32, #tpu.memory_space<vmem>>) semaphore(%arg15 : memref<!tpu.dma_semaphore, #tpu.memory_space<semaphore_mem>>)
      %gt3A = arith.constant 0 : i32
      %gt3A_44 = arith.cmpi sgt, %add3A_33, %gt3A : i32
      %convert_element_type3A = arith.extui %gt3A_44 : i1 to i32
      %cond3A = arith.constant 0 : i32
      %cond3A_45 = arith.cmpi ne, %convert_element_type3A, %cond3A : i32
      scf.if %cond3A_45 {
        %dma_wait3A_76 = arith.constant 0 : i32
        %dma_wait3A_77 = arith.constant 0 : i32
        %dma_wait3A_78 = tpu.memref_slice %arg2[%dma_wait3A_76, %dma_wait3A_77] : memref<10240x128xf32, #tpu.memory_space<hbm>> -> memref<10240x128xf32, #tpu.memory_space<hbm>>
        tpu.wait_indirect_dma semaphore(%arg16 : memref<!tpu.dma_semaphore, #tpu.memory_space<semaphore_mem>>) src(%dma_wait3A_78 : memref<10240x128xf32, #tpu.memory_space<hbm>>) dst(%arg11 : memref<128x128xf32, #tpu.memory_space<vmem>>)
        "tpu.region"() ({
          %run_scoped3A = tpu.sem_alloc : memref<!tpu.dma_semaphore, #tpu.memory_space<semaphore_mem>>
          %dma_start3A_79 = arith.constant 0 : i32
          %dma_start3A_80 = arith.constant 0 : i32
          %dma_start3A_81 = tpu.memref_slice %arg12[%dma_start3A_79, %dma_start3A_80] : memref<10240x128xf32, #tpu.memory_space<vmem_shared>> -> memref<10240x128xf32, #tpu.memory_space<vmem_shared>>
          tpu.enqueue_indirect_dma source(%arg11 : memref<128x128xf32, #tpu.memory_space<vmem>>) target(%dma_start3A_81 : memref<10240x128xf32, #tpu.memory_space<vmem_shared>>) offsets(%arg9 : memref<128xi32, #tpu.memory_space<vmem>>) semaphore(%run_scoped3A : memref<!tpu.dma_semaphore, #tpu.memory_space<semaphore_mem>>) {add = true}
          %dma_wait3A_82 = arith.constant 0 : i32
          %dma_wait3A_83 = arith.constant 0 : i32
          %dma_wait3A_84 = tpu.memref_slice %arg12[%dma_wait3A_82, %dma_wait3A_83] : memref<10240x128xf32, #tpu.memory_space<vmem_shared>> -> memref<10240x128xf32, #tpu.memory_space<vmem_shared>>
          tpu.wait_indirect_dma semaphore(%run_scoped3A : memref<!tpu.dma_semaphore, #tpu.memory_space<semaphore_mem>>) src(%arg11 : memref<128x128xf32, #tpu.memory_space<vmem>>) dst(%dma_wait3A_84 : memref<10240x128xf32, #tpu.memory_space<vmem_shared>>)
          tpu.yield
        }) : () -> ()
      } else {
      }
      %add3A_46 = arith.constant 1 : i32
      %add3A_47 = arith.addi %add3A_33, %add3A_46 : i32
      %lt3A = arith.constant 80 : i32
      %lt3A_48 = arith.cmpi slt, %add3A_47, %lt3A : i32
      %convert_element_type3A_49 = arith.extui %lt3A_48 : i1 to i32
      %cond3A_50 = arith.constant 0 : i32
      %cond3A_51 = arith.cmpi ne, %convert_element_type3A_49, %cond3A_50 : i32
      scf.if %cond3A_51 {
        %add3A_76 = arith.constant 1 : i32
        %add3A_77 = arith.addi %add3A_33, %add3A_76 : i32
        %mul3A_78 = arith.constant 128 : i32
        %mul3A_79 = arith.muli %add3A_77, %mul3A_78 : i32
        %add3A_80 = arith.addi %mul3A_2, %mul3A_79 : i32
        %dma_start3A_81 = tpu.memref_slice %arg3[%add3A_80] : memref<327680xi32, #tpu.memory_space<hbm>> -> memref<128xi32, #tpu.memory_space<hbm>>
        %dma_start3A_82 = tpu.memref_slice %arg3[%add3A_80] : memref<327680xi32, #tpu.memory_space<hbm>> -> memref<128xi32, #tpu.memory_space<hbm>>
        tpu.enqueue_dma source(%dma_start3A_82 : memref<128xi32, #tpu.memory_space<hbm>>) target(%arg7 : memref<128xi32, #tpu.memory_space<vmem>>) target_semaphore(%arg14 : memref<!tpu.dma_semaphore, #tpu.memory_space<semaphore_mem>>)
        %dma_start3A_83 = tpu.memref_slice %arg4[%add3A_80] : memref<327680xi32, #tpu.memory_space<hbm>> -> memref<128xi32, #tpu.memory_space<hbm>>
        %dma_start3A_84 = tpu.memref_slice %arg4[%add3A_80] : memref<327680xi32, #tpu.memory_space<hbm>> -> memref<128xi32, #tpu.memory_space<hbm>>
        tpu.enqueue_dma source(%dma_start3A_84 : memref<128xi32, #tpu.memory_space<hbm>>) target(%arg9 : memref<128xi32, #tpu.memory_space<vmem>>) target_semaphore(%arg14 : memref<!tpu.dma_semaphore, #tpu.memory_space<semaphore_mem>>)
      } else {
      }
      %add3A_52 = arith.constant 1 : i32
      %add3A_53 = arith.addi %add3A_31, %add3A_52 : i32
      %mul3A_54 = arith.constant 128 : i32
      %mul3A_55 = arith.muli %add3A_53, %mul3A_54 : i32
      %add3A_56 = arith.addi %mul3A_2, %mul3A_55 : i32
      %dma_wait3A_57 = tpu.memref_slice %arg3[%add3A_56] : memref<327680xi32, #tpu.memory_space<hbm>> -> memref<128xi32, #tpu.memory_space<hbm>>
      %dma_wait3A_58 = tpu.memref_slice %arg3[%add3A_56] : memref<327680xi32, #tpu.memory_space<hbm>> -> memref<128xi32, #tpu.memory_space<hbm>>
      tpu.wait_dma2 semaphore(%arg14 : memref<!tpu.dma_semaphore, #tpu.memory_space<semaphore_mem>>) src(%dma_wait3A_58 : memref<128xi32, #tpu.memory_space<hbm>>) dst(%arg7 : memref<128xi32, #tpu.memory_space<vmem>>)
      %dma_wait3A_59 = tpu.memref_slice %arg4[%add3A_56] : memref<327680xi32, #tpu.memory_space<hbm>> -> memref<128xi32, #tpu.memory_space<hbm>>
      %dma_wait3A_60 = tpu.memref_slice %arg4[%add3A_56] : memref<327680xi32, #tpu.memory_space<hbm>> -> memref<128xi32, #tpu.memory_space<hbm>>
      tpu.wait_dma2 semaphore(%arg14 : memref<!tpu.dma_semaphore, #tpu.memory_space<semaphore_mem>>) src(%dma_wait3A_60 : memref<128xi32, #tpu.memory_space<hbm>>) dst(%arg9 : memref<128xi32, #tpu.memory_space<vmem>>)
      %dma_start3A_61 = arith.constant 0 : i32
      %dma_start3A_62 = arith.constant 0 : i32
      %dma_start3A_63 = tpu.memref_slice %arg2[%dma_start3A_61, %dma_start3A_62] : memref<10240x128xf32, #tpu.memory_space<hbm>> -> memref<10240x128xf32, #tpu.memory_space<hbm>>
      tpu.enqueue_indirect_dma source(%dma_start3A_63 : memref<10240x128xf32, #tpu.memory_space<hbm>>) target(%arg11 : memref<128x128xf32, #tpu.memory_space<vmem>>) offsets(%arg7 : memref<128xi32, #tpu.memory_space<vmem>>) semaphore(%arg16 : memref<!tpu.dma_semaphore, #tpu.memory_space<semaphore_mem>>)
      %gt3A_64 = arith.constant 0 : i32
      %gt3A_65 = arith.cmpi sgt, %add3A_53, %gt3A_64 : i32
      %convert_element_type3A_66 = arith.extui %gt3A_65 : i1 to i32
      %cond3A_67 = arith.constant 0 : i32
      %cond3A_68 = arith.cmpi ne, %convert_element_type3A_66, %cond3A_67 : i32
      scf.if %cond3A_68 {
        %dma_wait3A_76 = arith.constant 0 : i32
        %dma_wait3A_77 = arith.constant 0 : i32
        %dma_wait3A_78 = tpu.memref_slice %arg2[%dma_wait3A_76, %dma_wait3A_77] : memref<10240x128xf32, #tpu.memory_space<hbm>> -> memref<10240x128xf32, #tpu.memory_space<hbm>>
        tpu.wait_indirect_dma semaphore(%arg15 : memref<!tpu.dma_semaphore, #tpu.memory_space<semaphore_mem>>) src(%dma_wait3A_78 : memref<10240x128xf32, #tpu.memory_space<hbm>>) dst(%arg10 : memref<128x128xf32, #tpu.memory_space<vmem>>)
        "tpu.region"() ({
          %run_scoped3A = tpu.sem_alloc : memref<!tpu.dma_semaphore, #tpu.memory_space<semaphore_mem>>
          %dma_start3A_79 = arith.constant 0 : i32
          %dma_start3A_80 = arith.constant 0 : i32
          %dma_start3A_81 = tpu.memref_slice %arg12[%dma_start3A_79, %dma_start3A_80] : memref<10240x128xf32, #tpu.memory_space<vmem_shared>> -> memref<10240x128xf32, #tpu.memory_space<vmem_shared>>
          tpu.enqueue_indirect_dma source(%arg10 : memref<128x128xf32, #tpu.memory_space<vmem>>) target(%dma_start3A_81 : memref<10240x128xf32, #tpu.memory_space<vmem_shared>>) offsets(%arg8 : memref<128xi32, #tpu.memory_space<vmem>>) semaphore(%run_scoped3A : memref<!tpu.dma_semaphore, #tpu.memory_space<semaphore_mem>>) {add = true}
          %dma_wait3A_82 = arith.constant 0 : i32
          %dma_wait3A_83 = arith.constant 0 : i32
          %dma_wait3A_84 = tpu.memref_slice %arg12[%dma_wait3A_82, %dma_wait3A_83] : memref<10240x128xf32, #tpu.memory_space<vmem_shared>> -> memref<10240x128xf32, #tpu.memory_space<vmem_shared>>
          tpu.wait_indirect_dma semaphore(%run_scoped3A : memref<!tpu.dma_semaphore, #tpu.memory_space<semaphore_mem>>) src(%arg10 : memref<128x128xf32, #tpu.memory_space<vmem>>) dst(%dma_wait3A_84 : memref<10240x128xf32, #tpu.memory_space<vmem_shared>>)
          tpu.yield
        }) : () -> ()
      } else {
      }
      %add3A_69 = arith.constant 1 : i32
      %add3A_70 = arith.addi %add3A_53, %add3A_69 : i32
      %lt3A_71 = arith.constant 80 : i32
      %lt3A_72 = arith.cmpi slt, %add3A_70, %lt3A_71 : i32
      %convert_element_type3A_73 = arith.extui %lt3A_72 : i1 to i32
      %cond3A_74 = arith.constant 0 : i32
      %cond3A_75 = arith.cmpi ne, %convert_element_type3A_73, %cond3A_74 : i32
      scf.if %cond3A_75 {
        %add3A_76 = arith.constant 1 : i32
        %add3A_77 = arith.addi %add3A_53, %add3A_76 : i32
        %mul3A_78 = arith.constant 128 : i32
        %mul3A_79 = arith.muli %add3A_77, %mul3A_78 : i32
        %add3A_80 = arith.addi %mul3A_2, %mul3A_79 : i32
        %dma_start3A_81 = tpu.memref_slice %arg3[%add3A_80] : memref<327680xi32, #tpu.memory_space<hbm>> -> memref<128xi32, #tpu.memory_space<hbm>>
        %dma_start3A_82 = tpu.memref_slice %arg3[%add3A_80] : memref<327680xi32, #tpu.memory_space<hbm>> -> memref<128xi32, #tpu.memory_space<hbm>>
        tpu.enqueue_dma source(%dma_start3A_82 : memref<128xi32, #tpu.memory_space<hbm>>) target(%arg6 : memref<128xi32, #tpu.memory_space<vmem>>) target_semaphore(%arg13 : memref<!tpu.dma_semaphore, #tpu.memory_space<semaphore_mem>>)
        %dma_start3A_83 = tpu.memref_slice %arg4[%add3A_80] : memref<327680xi32, #tpu.memory_space<hbm>> -> memref<128xi32, #tpu.memory_space<hbm>>
        %dma_start3A_84 = tpu.memref_slice %arg4[%add3A_80] : memref<327680xi32, #tpu.memory_space<hbm>> -> memref<128xi32, #tpu.memory_space<hbm>>
        tpu.enqueue_dma source(%dma_start3A_84 : memref<128xi32, #tpu.memory_space<hbm>>) target(%arg8 : memref<128xi32, #tpu.memory_space<vmem>>) target_semaphore(%arg13 : memref<!tpu.dma_semaphore, #tpu.memory_space<semaphore_mem>>)
      } else {
      }
    }
    %scan3A_23 = arith.constant 40 : i32
    %dma_wait3A = arith.constant 0 : i32
    %dma_wait3A_24 = arith.constant 0 : i32
    %dma_wait3A_25 = tpu.memref_slice %arg2[%dma_wait3A, %dma_wait3A_24] : memref<10240x128xf32, #tpu.memory_space<hbm>> -> memref<10240x128xf32, #tpu.memory_space<hbm>>
    tpu.wait_indirect_dma semaphore(%arg16 : memref<!tpu.dma_semaphore, #tpu.memory_space<semaphore_mem>>) src(%dma_wait3A_25 : memref<10240x128xf32, #tpu.memory_space<hbm>>) dst(%arg11 : memref<128x128xf32, #tpu.memory_space<vmem>>)
    "tpu.region"() ({
      %run_scoped3A = tpu.sem_alloc : memref<!tpu.dma_semaphore, #tpu.memory_space<semaphore_mem>>
      %dma_start3A_27 = arith.constant 0 : i32
      %dma_start3A_28 = arith.constant 0 : i32
      %dma_start3A_29 = tpu.memref_slice %arg12[%dma_start3A_27, %dma_start3A_28] : memref<10240x128xf32, #tpu.memory_space<vmem_shared>> -> memref<10240x128xf32, #tpu.memory_space<vmem_shared>>
      tpu.enqueue_indirect_dma source(%arg11 : memref<128x128xf32, #tpu.memory_space<vmem>>) target(%dma_start3A_29 : memref<10240x128xf32, #tpu.memory_space<vmem_shared>>) offsets(%arg9 : memref<128xi32, #tpu.memory_space<vmem>>) semaphore(%run_scoped3A : memref<!tpu.dma_semaphore, #tpu.memory_space<semaphore_mem>>) {add = true}
      %dma_wait3A_30 = arith.constant 0 : i32
      %dma_wait3A_31 = arith.constant 0 : i32
      %dma_wait3A_32 = tpu.memref_slice %arg12[%dma_wait3A_30, %dma_wait3A_31] : memref<10240x128xf32, #tpu.memory_space<vmem_shared>> -> memref<10240x128xf32, #tpu.memory_space<vmem_shared>>
      tpu.wait_indirect_dma semaphore(%run_scoped3A : memref<!tpu.dma_semaphore, #tpu.memory_space<semaphore_mem>>) src(%arg11 : memref<128x128xf32, #tpu.memory_space<vmem>>) dst(%dma_wait3A_32 : memref<10240x128xf32, #tpu.memory_space<vmem_shared>>)
      tpu.yield
    }) : () -> ()
    %barrier3A_26 = arith.constant 0 : index
    tpu.barrier barrier_id(%barrier3A_26)
    "tpu.region"() ({
      %run_scoped3A = tpu.sem_alloc : memref<!tpu.dma_semaphore, #tpu.memory_space<semaphore_mem>>
      %dma_start3A_27 = arith.constant 0 : i32
      %dma_start3A_28 = tpu.memref_slice %arg5[%arg0, %mul3A_13, %dma_start3A_27] : memref<2x10240x128xf32, #tpu.memory_space<hbm>> -> memref<1x640x128xf32, #tpu.memory_space<hbm>>
      %dma_start3A_29 = tpu.memref_squeeze %dma_start3A_28 : memref<1x640x128xf32, #tpu.memory_space<hbm>> -> memref<640x128xf32, #tpu.memory_space<hbm>>
      %dma_start3A_30 = arith.constant 0 : i32
      %dma_start3A_31 = tpu.memref_slice %arg12[%mul3A_13, %dma_start3A_30] : memref<10240x128xf32, #tpu.memory_space<vmem_shared>> -> memref<640x128xf32, #tpu.memory_space<vmem_shared>>
      tpu.enqueue_dma source(%dma_start3A_31 : memref<640x128xf32, #tpu.memory_space<vmem_shared>>) target(%dma_start3A_29 : memref<640x128xf32, #tpu.memory_space<hbm>>) target_semaphore(%run_scoped3A : memref<!tpu.dma_semaphore, #tpu.memory_space<semaphore_mem>>)
      %dma_wait3A_32 = arith.constant 0 : i32
      %dma_wait3A_33 = tpu.memref_slice %arg5[%arg0, %mul3A_13, %dma_wait3A_32] : memref<2x10240x128xf32, #tpu.memory_space<hbm>> -> memref<1x640x128xf32, #tpu.memory_space<hbm>>
      %dma_wait3A_34 = tpu.memref_squeeze %dma_wait3A_33 : memref<1x640x128xf32, #tpu.memory_space<hbm>> -> memref<640x128xf32, #tpu.memory_space<hbm>>
      %dma_wait3A_35 = arith.constant 0 : i32
      %dma_wait3A_36 = tpu.memref_slice %arg12[%mul3A_13, %dma_wait3A_35] : memref<10240x128xf32, #tpu.memory_space<vmem_shared>> -> memref<640x128xf32, #tpu.memory_space<vmem_shared>>
      tpu.wait_dma2 semaphore(%run_scoped3A : memref<!tpu.dma_semaphore, #tpu.memory_space<semaphore_mem>>) src(%dma_wait3A_36 : memref<640x128xf32, #tpu.memory_space<vmem_shared>>) dst(%dma_wait3A_34 : memref<640x128xf32, #tpu.memory_space<hbm>>)
      tpu.yield
    }) : () -> ()
    return
  }
}

#map = affine_map<(d0, d1) -> (0)>
#map1 = affine_map<(d0, d1) -> (0, 0, 0)>
module attributes {stable_mosaic.version = 14 : i64} {
  func.func @k(%arg0: i32, %arg1: i32, %arg2: memref<327680xi32, #tpu.memory_space<hbm>>, %arg3: memref<2x10240x128xf32, #tpu.memory_space<hbm>>, %arg4: memref<128xi32, #tpu.memory_space<vmem>>, %arg5: memref<128xi32, #tpu.memory_space<vmem>>, %arg6: memref<128x128xf32, #tpu.memory_space<vmem>>, %arg7: memref<10240x128xf32, #tpu.memory_space<vmem_shared>>, %arg8: memref<!tpu.dma_semaphore, #tpu.memory_space<semaphore_mem>>, %arg9: memref<!tpu.dma_semaphore, #tpu.memory_space<semaphore_mem>>) attributes {dimension_semantics = [#tpu.dimension_semantics<core_parallel>, #tpu.dimension_semantics<subcore_parallel>], iteration_bounds = array<i64: 2, 16>, scalar_prefetch = 0 : i64, scratch_operands = 6 : i64, tpu.core_type = #tpu.core_type<sc_vector_subcore>, window_params = [{transform_indices = #map}, {transform_indices = #map1}]} {
    %mul3A = arith.constant 640 : i32
    %mul3A_0 = arith.muli %arg1, %mul3A : i32
    %mul3A_1 = arith.constant 2 : i32
    %mul3A_2 = arith.muli %arg1, %mul3A_1 : i32
    %add3A = arith.addi %mul3A_2, %arg0 : i32
    %mul3A_3 = arith.constant 10240 : i32
    %mul3A_4 = arith.muli %add3A, %mul3A_3 : i32
    %dma_start3A = tpu.memref_slice %arg2[%mul3A_4] : memref<327680xi32, #tpu.memory_space<hbm>> -> memref<128xi32, #tpu.memory_space<hbm>>
    %dma_start3A_5 = tpu.memref_slice %arg2[%mul3A_4] : memref<327680xi32, #tpu.memory_space<hbm>> -> memref<128xi32, #tpu.memory_space<hbm>>
    tpu.enqueue_dma source(%dma_start3A_5 : memref<128xi32, #tpu.memory_space<hbm>>) target(%arg4 : memref<128xi32, #tpu.memory_space<vmem>>) target_semaphore(%arg8 : memref<!tpu.dma_semaphore, #tpu.memory_space<semaphore_mem>>)
    %add3A_6 = arith.constant 128 : i32
    %add3A_7 = arith.addi %mul3A_4, %add3A_6 : i32
    %dma_start3A_8 = tpu.memref_slice %arg2[%add3A_7] : memref<327680xi32, #tpu.memory_space<hbm>> -> memref<128xi32, #tpu.memory_space<hbm>>
    %dma_start3A_9 = tpu.memref_slice %arg2[%add3A_7] : memref<327680xi32, #tpu.memory_space<hbm>> -> memref<128xi32, #tpu.memory_space<hbm>>
    tpu.enqueue_dma source(%dma_start3A_9 : memref<128xi32, #tpu.memory_space<hbm>>) target(%arg5 : memref<128xi32, #tpu.memory_space<vmem>>) target_semaphore(%arg9 : memref<!tpu.dma_semaphore, #tpu.memory_space<semaphore_mem>>)
    %scan3A = arith.constant 0 : i32
    %scan3A_10 = arith.constant 16 : i32
    %scan3A_11 = arith.addi %scan3A, %scan3A_10 : i32
    %scan3A_12 = arith.constant 1 : i32
    scf.for %scan3A_30 = %scan3A to %scan3A_11 step %scan3A_12  : i32 {
      %mul3A_31 = arith.constant 1 : i32
      %mul3A_32 = arith.muli %scan3A_30, %mul3A_31 : i32
      %add3A_33 = arith.constant 0 : i32
      %add3A_34 = arith.addi %add3A_33, %mul3A_32 : i32
      %scan3A_35 = arith.constant 0 : i32
      %scan3A_36 = arith.constant 8 : i32
      %scan3A_37 = arith.addi %scan3A_35, %scan3A_36 : i32
      %scan3A_38 = arith.constant 1 : i32
      scf.for %scan3A_40 = %scan3A_35 to %scan3A_37 step %scan3A_38  : i32 {
        %mul3A_41 = arith.constant 16 : i32
        %mul3A_42 = arith.muli %scan3A_40, %mul3A_41 : i32
        %add3A_43 = arith.constant 0 : i32
        %add3A_44 = arith.addi %add3A_43, %mul3A_42 : i32
        %broadcast_in_dim3A = arith.constant 0.000000e+00 : f32
        %broadcast_in_dim3A_45 = vector.broadcast %broadcast_in_dim3A : f32 to vector<16xf32>
        %swap3A = arith.index_cast %add3A_34 : i32 to index
        %swap3A_46 = arith.index_cast %add3A_44 : i32 to index
        %swap3A_47 = tpu.vector_load %arg6[%swap3A, %swap3A_46] {strides = array<i32>} : memref<128x128xf32, #tpu.memory_space<vmem>>, vector<1x16xf32>,
        %swap3A_48 = vector.shape_cast %swap3A_47 : vector<1x16xf32> to vector<16xf32>
        %swap3A_49 = vector.shape_cast %broadcast_in_dim3A_45 : vector<16xf32> to vector<1x16xf32>
        tpu.vector_store %arg6[%swap3A, %swap3A_46], %swap3A_49 {strides = array<i32>} : memref<128x128xf32, #tpu.memory_space<vmem>>, vector<1x16xf32>,
      }
      %scan3A_39 = arith.constant 8 : i32
    }
    %scan3A_13 = arith.constant 16 : i32
    %scan3A_14 = arith.constant 0 : i32
    %scan3A_15 = arith.constant 40 : i32
    %scan3A_16 = arith.addi %scan3A_14, %scan3A_15 : i32
    %scan3A_17 = arith.constant 1 : i32
    scf.for %scan3A_30 = %scan3A_14 to %scan3A_16 step %scan3A_17  : i32 {
      %mul3A_31 = arith.constant 16 : i32
      %mul3A_32 = arith.muli %scan3A_30, %mul3A_31 : i32
      %add3A_33 = arith.constant 0 : i32
      %add3A_34 = arith.addi %add3A_33, %mul3A_32 : i32
      %add3A_35 = arith.addi %mul3A_0, %add3A_34 : i32
      "tpu.region"() ({
        %run_scoped3A = tpu.sem_alloc : memref<!tpu.dma_semaphore, #tpu.memory_space<semaphore_mem>>
        %dma_start3A_36 = arith.constant 0 : i32
        %dma_start3A_37 = arith.constant 0 : i32
        %dma_start3A_38 = tpu.memref_slice %arg6[%dma_start3A_36, %dma_start3A_37] : memref<128x128xf32, #tpu.memory_space<vmem>> -> memref<16x128xf32, #tpu.memory_space<vmem>>
        %dma_start3A_39 = arith.constant 0 : i32
        %dma_start3A_40 = tpu.memref_slice %arg7[%add3A_35, %dma_start3A_39] : memref<10240x128xf32, #tpu.memory_space<vmem_shared>> -> memref<16x128xf32, #tpu.memory_space<vmem_shared>>
        %dma_start3A_41 = arith.constant 0 : i32
        %dma_start3A_42 = tpu.memref_slice %arg7[%add3A_35, %dma_start3A_41] : memref<10240x128xf32, #tpu.memory_space<vmem_shared>> -> memref<16x128xf32, #tpu.memory_space<vmem_shared>>
        %dma_start3A_43 = arith.constant 0 : i32
        %dma_start3A_44 = arith.constant 0 : i32
        %dma_start3A_45 = tpu.memref_slice %arg6[%dma_start3A_43, %dma_start3A_44] : memref<128x128xf32, #tpu.memory_space<vmem>> -> memref<16x128xf32, #tpu.memory_space<vmem>>
        tpu.enqueue_dma source(%dma_start3A_45 : memref<16x128xf32, #tpu.memory_space<vmem>>) target(%dma_start3A_42 : memref<16x128xf32, #tpu.memory_space<vmem_shared>>) target_semaphore(%run_scoped3A : memref<!tpu.dma_semaphore, #tpu.memory_space<semaphore_mem>>)
        %dma_wait3A = arith.constant 0 : i32
        %dma_wait3A_46 = arith.constant 0 : i32
        %dma_wait3A_47 = tpu.memref_slice %arg6[%dma_wait3A, %dma_wait3A_46] : memref<128x128xf32, #tpu.memory_space<vmem>> -> memref<16x128xf32, #tpu.memory_space<vmem>>
        %dma_wait3A_48 = arith.constant 0 : i32
        %dma_wait3A_49 = tpu.memref_slice %arg7[%add3A_35, %dma_wait3A_48] : memref<10240x128xf32, #tpu.memory_space<vmem_shared>> -> memref<16x128xf32, #tpu.memory_space<vmem_shared>>
        %dma_wait3A_50 = arith.constant 0 : i32
        %dma_wait3A_51 = tpu.memref_slice %arg7[%add3A_35, %dma_wait3A_50] : memref<10240x128xf32, #tpu.memory_space<vmem_shared>> -> memref<16x128xf32, #tpu.memory_space<vmem_shared>>
        %dma_wait3A_52 = arith.constant 0 : i32
        %dma_wait3A_53 = arith.constant 0 : i32
        %dma_wait3A_54 = tpu.memref_slice %arg6[%dma_wait3A_52, %dma_wait3A_53] : memref<128x128xf32, #tpu.memory_space<vmem>> -> memref<16x128xf32, #tpu.memory_space<vmem>>
        tpu.wait_dma2 semaphore(%run_scoped3A : memref<!tpu.dma_semaphore, #tpu.memory_space<semaphore_mem>>) src(%dma_wait3A_54 : memref<16x128xf32, #tpu.memory_space<vmem>>) dst(%dma_wait3A_51 : memref<16x128xf32, #tpu.memory_space<vmem_shared>>)
        tpu.yield
      }) : () -> ()
    }
    %scan3A_18 = arith.constant 40 : i32
    %scan3A_19 = arith.constant 0 : i32
    %scan3A_20 = arith.constant 128 : i32
    %scan3A_21 = arith.addi %scan3A_19, %scan3A_20 : i32
    %scan3A_22 = arith.constant 1 : i32
    scf.for %scan3A_30 = %scan3A_19 to %scan3A_21 step %scan3A_22  : i32 {
      %mul3A_31 = arith.constant 1 : i32
      %mul3A_32 = arith.muli %scan3A_30, %mul3A_31 : i32
      %add3A_33 = arith.constant 0 : i32
      %add3A_34 = arith.addi %add3A_33, %mul3A_32 : i32
      %scan3A_35 = arith.constant 0 : i32
      %scan3A_36 = arith.constant 8 : i32
      %scan3A_37 = arith.addi %scan3A_35, %scan3A_36 : i32
      %scan3A_38 = arith.constant 1 : i32
      scf.for %scan3A_40 = %scan3A_35 to %scan3A_37 step %scan3A_38  : i32 {
        %mul3A_41 = arith.constant 16 : i32
        %mul3A_42 = arith.muli %scan3A_40, %mul3A_41 : i32
        %add3A_43 = arith.constant 0 : i32
        %add3A_44 = arith.addi %add3A_43, %mul3A_42 : i32
        %broadcast_in_dim3A = arith.constant 1.000000e+00 : f32
        %broadcast_in_dim3A_45 = vector.broadcast %broadcast_in_dim3A : f32 to vector<16xf32>
        %swap3A = arith.index_cast %add3A_34 : i32 to index
        %swap3A_46 = arith.index_cast %add3A_44 : i32 to index
        %swap3A_47 = tpu.vector_load %arg6[%swap3A, %swap3A_46] {strides = array<i32>} : memref<128x128xf32, #tpu.memory_space<vmem>>, vector<1x16xf32>,
        %swap3A_48 = vector.shape_cast %swap3A_47 : vector<1x16xf32> to vector<16xf32>
        %swap3A_49 = vector.shape_cast %broadcast_in_dim3A_45 : vector<16xf32> to vector<1x16xf32>
        tpu.vector_store %arg6[%swap3A, %swap3A_46], %swap3A_49 {strides = array<i32>} : memref<128x128xf32, #tpu.memory_space<vmem>>, vector<1x16xf32>,
      }
      %scan3A_39 = arith.constant 8 : i32
    }
    %scan3A_23 = arith.constant 128 : i32
    %barrier3A = arith.constant 0 : index
    tpu.barrier barrier_id(%barrier3A)
    %scan3A_24 = arith.constant 0 : i32
    %scan3A_25 = arith.constant 40 : i32
    %scan3A_26 = arith.addi %scan3A_24, %scan3A_25 : i32
    %scan3A_27 = arith.constant 1 : i32
    scf.for %scan3A_30 = %scan3A_24 to %scan3A_26 step %scan3A_27  : i32 {
      %mul3A_31 = arith.constant 2 : i32
      %mul3A_32 = arith.muli %scan3A_30, %mul3A_31 : i32
      %add3A_33 = arith.constant 0 : i32
      %add3A_34 = arith.addi %add3A_33, %mul3A_32 : i32
      %add3A_35 = arith.constant 0 : i32
      %add3A_36 = arith.addi %add3A_34, %add3A_35 : i32
      %mul3A_37 = arith.constant 128 : i32
      %mul3A_38 = arith.muli %add3A_36, %mul3A_37 : i32
      %add3A_39 = arith.addi %mul3A_4, %mul3A_38 : i32
      %dma_wait3A = tpu.memref_slice %arg2[%add3A_39] : memref<327680xi32, #tpu.memory_space<hbm>> -> memref<128xi32, #tpu.memory_space<hbm>>
      %dma_wait3A_40 = tpu.memref_slice %arg2[%add3A_39] : memref<327680xi32, #tpu.memory_space<hbm>> -> memref<128xi32, #tpu.memory_space<hbm>>
      tpu.wait_dma2 semaphore(%arg8 : memref<!tpu.dma_semaphore, #tpu.memory_space<semaphore_mem>>) src(%dma_wait3A_40 : memref<128xi32, #tpu.memory_space<hbm>>) dst(%arg4 : memref<128xi32, #tpu.memory_space<vmem>>)
      "tpu.region"() ({
        %run_scoped3A = tpu.sem_alloc : memref<!tpu.dma_semaphore, #tpu.memory_space<semaphore_mem>>
        %dma_start3A_59 = arith.constant 0 : i32
        %dma_start3A_60 = arith.constant 0 : i32
        %dma_start3A_61 = tpu.memref_slice %arg7[%dma_start3A_59, %dma_start3A_60] : memref<10240x128xf32, #tpu.memory_space<vmem_shared>> -> memref<10240x128xf32, #tpu.memory_space<vmem_shared>>
        tpu.enqueue_indirect_dma source(%arg6 : memref<128x128xf32, #tpu.memory_space<vmem>>) target(%dma_start3A_61 : memref<10240x128xf32, #tpu.memory_space<vmem_shared>>) offsets(%arg4 : memref<128xi32, #tpu.memory_space<vmem>>) semaphore(%run_scoped3A : memref<!tpu.dma_semaphore, #tpu.memory_space<semaphore_mem>>) {add = true}
        %dma_wait3A_62 = arith.constant 0 : i32
        %dma_wait3A_63 = arith.constant 0 : i32
        %dma_wait3A_64 = tpu.memref_slice %arg7[%dma_wait3A_62, %dma_wait3A_63] : memref<10240x128xf32, #tpu.memory_space<vmem_shared>> -> memref<10240x128xf32, #tpu.memory_space<vmem_shared>>
        tpu.wait_indirect_dma semaphore(%run_scoped3A : memref<!tpu.dma_semaphore, #tpu.memory_space<semaphore_mem>>) src(%arg6 : memref<128x128xf32, #tpu.memory_space<vmem>>) dst(%dma_wait3A_64 : memref<10240x128xf32, #tpu.memory_space<vmem_shared>>)
        tpu.yield
      }) : () -> ()
      %add3A_41 = arith.constant 2 : i32
      %add3A_42 = arith.addi %add3A_36, %add3A_41 : i32
      %lt3A = arith.constant 80 : i32
      %lt3A_43 = arith.cmpi slt, %add3A_42, %lt3A : i32
      %convert_element_type3A = arith.extui %lt3A_43 : i1 to i32
      %cond3A = arith.constant 0 : i32
      %cond3A_44 = arith.cmpi ne, %convert_element_type3A, %cond3A : i32
      scf.if %cond3A_44 {
        %add3A_59 = arith.constant 2 : i32
        %add3A_60 = arith.addi %add3A_36, %add3A_59 : i32
        %mul3A_61 = arith.constant 128 : i32
        %mul3A_62 = arith.muli %add3A_60, %mul3A_61 : i32
        %add3A_63 = arith.addi %mul3A_4, %mul3A_62 : i32
        %dma_start3A_64 = tpu.memref_slice %arg2[%add3A_63] : memref<327680xi32, #tpu.memory_space<hbm>> -> memref<128xi32, #tpu.memory_space<hbm>>
        %dma_start3A_65 = tpu.memref_slice %arg2[%add3A_63] : memref<327680xi32, #tpu.memory_space<hbm>> -> memref<128xi32, #tpu.memory_space<hbm>>
        tpu.enqueue_dma source(%dma_start3A_65 : memref<128xi32, #tpu.memory_space<hbm>>) target(%arg4 : memref<128xi32, #tpu.memory_space<vmem>>) target_semaphore(%arg8 : memref<!tpu.dma_semaphore, #tpu.memory_space<semaphore_mem>>)
      } else {
      }
      %add3A_45 = arith.constant 1 : i32
      %add3A_46 = arith.addi %add3A_34, %add3A_45 : i32
      %mul3A_47 = arith.constant 128 : i32
      %mul3A_48 = arith.muli %add3A_46, %mul3A_47 : i32
      %add3A_49 = arith.addi %mul3A_4, %mul3A_48 : i32
      %dma_wait3A_50 = tpu.memref_slice %arg2[%add3A_49] : memref<327680xi32, #tpu.memory_space<hbm>> -> memref<128xi32, #tpu.memory_space<hbm>>
      %dma_wait3A_51 = tpu.memref_slice %arg2[%add3A_49] : memref<327680xi32, #tpu.memory_space<hbm>> -> memref<128xi32, #tpu.memory_space<hbm>>
      tpu.wait_dma2 semaphore(%arg9 : memref<!tpu.dma_semaphore, #tpu.memory_space<semaphore_mem>>) src(%dma_wait3A_51 : memref<128xi32, #tpu.memory_space<hbm>>) dst(%arg5 : memref<128xi32, #tpu.memory_space<vmem>>)
      "tpu.region"() ({
        %run_scoped3A = tpu.sem_alloc : memref<!tpu.dma_semaphore, #tpu.memory_space<semaphore_mem>>
        %dma_start3A_59 = arith.constant 0 : i32
        %dma_start3A_60 = arith.constant 0 : i32
        %dma_start3A_61 = tpu.memref_slice %arg7[%dma_start3A_59, %dma_start3A_60] : memref<10240x128xf32, #tpu.memory_space<vmem_shared>> -> memref<10240x128xf32, #tpu.memory_space<vmem_shared>>
        tpu.enqueue_indirect_dma source(%arg6 : memref<128x128xf32, #tpu.memory_space<vmem>>) target(%dma_start3A_61 : memref<10240x128xf32, #tpu.memory_space<vmem_shared>>) offsets(%arg5 : memref<128xi32, #tpu.memory_space<vmem>>) semaphore(%run_scoped3A : memref<!tpu.dma_semaphore, #tpu.memory_space<semaphore_mem>>) {add = true}
        %dma_wait3A_62 = arith.constant 0 : i32
        %dma_wait3A_63 = arith.constant 0 : i32
        %dma_wait3A_64 = tpu.memref_slice %arg7[%dma_wait3A_62, %dma_wait3A_63] : memref<10240x128xf32, #tpu.memory_space<vmem_shared>> -> memref<10240x128xf32, #tpu.memory_space<vmem_shared>>
        tpu.wait_indirect_dma semaphore(%run_scoped3A : memref<!tpu.dma_semaphore, #tpu.memory_space<semaphore_mem>>) src(%arg6 : memref<128x128xf32, #tpu.memory_space<vmem>>) dst(%dma_wait3A_64 : memref<10240x128xf32, #tpu.memory_space<vmem_shared>>)
        tpu.yield
      }) : () -> ()
      %add3A_52 = arith.constant 2 : i32
      %add3A_53 = arith.addi %add3A_46, %add3A_52 : i32
      %lt3A_54 = arith.constant 80 : i32
      %lt3A_55 = arith.cmpi slt, %add3A_53, %lt3A_54 : i32
      %convert_element_type3A_56 = arith.extui %lt3A_55 : i1 to i32
      %cond3A_57 = arith.constant 0 : i32
      %cond3A_58 = arith.cmpi ne, %convert_element_type3A_56, %cond3A_57 : i32
      scf.if %cond3A_58 {
        %add3A_59 = arith.constant 2 : i32
        %add3A_60 = arith.addi %add3A_46, %add3A_59 : i32
        %mul3A_61 = arith.constant 128 : i32
        %mul3A_62 = arith.muli %add3A_60, %mul3A_61 : i32
        %add3A_63 = arith.addi %mul3A_4, %mul3A_62 : i32
        %dma_start3A_64 = tpu.memref_slice %arg2[%add3A_63] : memref<327680xi32, #tpu.memory_space<hbm>> -> memref<128xi32, #tpu.memory_space<hbm>>
        %dma_start3A_65 = tpu.memref_slice %arg2[%add3A_63] : memref<327680xi32, #tpu.memory_space<hbm>> -> memref<128xi32, #tpu.memory_space<hbm>>
        tpu.enqueue_dma source(%dma_start3A_65 : memref<128xi32, #tpu.memory_space<hbm>>) target(%arg5 : memref<128xi32, #tpu.memory_space<vmem>>) target_semaphore(%arg9 : memref<!tpu.dma_semaphore, #tpu.memory_space<semaphore_mem>>)
      } else {
      }
    }
    %scan3A_28 = arith.constant 40 : i32
    %barrier3A_29 = arith.constant 0 : index
    tpu.barrier barrier_id(%barrier3A_29)
    "tpu.region"() ({
      %run_scoped3A = tpu.sem_alloc : memref<!tpu.dma_semaphore, #tpu.memory_space<semaphore_mem>>
      %dma_start3A_30 = arith.constant 0 : i32
      %dma_start3A_31 = tpu.memref_slice %arg3[%arg0, %mul3A_0, %dma_start3A_30] : memref<2x10240x128xf32, #tpu.memory_space<hbm>> -> memref<1x640x128xf32, #tpu.memory_space<hbm>>
      %dma_start3A_32 = tpu.memref_squeeze %dma_start3A_31 : memref<1x640x128xf32, #tpu.memory_space<hbm>> -> memref<640x128xf32, #tpu.memory_space<hbm>>
      %dma_start3A_33 = arith.constant 0 : i32
      %dma_start3A_34 = tpu.memref_slice %arg7[%mul3A_0, %dma_start3A_33] : memref<10240x128xf32, #tpu.memory_space<vmem_shared>> -> memref<640x128xf32, #tpu.memory_space<vmem_shared>>
      tpu.enqueue_dma source(%dma_start3A_34 : memref<640x128xf32, #tpu.memory_space<vmem_shared>>) target(%dma_start3A_32 : memref<640x128xf32, #tpu.memory_space<hbm>>) target_semaphore(%run_scoped3A : memref<!tpu.dma_semaphore, #tpu.memory_space<semaphore_mem>>)
      %dma_wait3A = arith.constant 0 : i32
      %dma_wait3A_35 = tpu.memref_slice %arg3[%arg0, %mul3A_0, %dma_wait3A] : memref<2x10240x128xf32, #tpu.memory_space<hbm>> -> memref<1x640x128xf32, #tpu.memory_space<hbm>>
      %dma_wait3A_36 = tpu.memref_squeeze %dma_wait3A_35 : memref<1x640x128xf32, #tpu.memory_space<hbm>> -> memref<640x128xf32, #tpu.memory_space<hbm>>
      %dma_wait3A_37 = arith.constant 0 : i32
      %dma_wait3A_38 = tpu.memref_slice %arg7[%mul3A_0, %dma_wait3A_37] : memref<10240x128xf32, #tpu.memory_space<vmem_shared>> -> memref<640x128xf32, #tpu.memory_space<vmem_shared>>
      tpu.wait_dma2 semaphore(%run_scoped3A : memref<!tpu.dma_semaphore, #tpu.memory_space<semaphore_mem>>) src(%dma_wait3A_38 : memref<640x128xf32, #tpu.memory_space<vmem_shared>>) dst(%dma_wait3A_36 : memref<640x128xf32, #tpu.memory_space<hbm>>)
      tpu.yield
    }) : () -> ()
    return
  }
}

module attributes {stable_mosaic.version = 14 : i64} {
  func.func @body(%arg0: i32, %arg1: memref<1280x128xf32, #tpu.memory_space<vmem>>, %arg2: memref<128x128xf32, #tpu.memory_space<vmem>>, %arg3: memref<1280x128xf32, #tpu.memory_space<vmem>>) attributes {dimension_semantics = [#tpu.dimension_semantics<arbitrary>], iteration_bounds = array<i64: 8>, scalar_prefetch = 0 : i64, scratch_operands = 0 : i64, tpu.core_type = #tpu.core_type<tc>, window_params = [{transform_indices = @transform_0, window_bounds = array<i64: 1280, 128>}, {pipeline_mode = #tpu.pipeline_mode<synchronous>, transform_indices = @transform_1, window_bounds = array<i64: 128, 128>}, {transform_indices = @transform_2, window_bounds = array<i64: 1280, 128>}]} {
    %get3A = arith.constant 0 : index
    %get3A_0 = arith.constant 0 : index
    %get3A_1 = vector.load %arg1[%get3A, %get3A_0] : memref<1280x128xf32, #tpu.memory_space<vmem>>, vector<1280x128xf32>
    %get3A_2 = arith.constant 0 : index
    %get3A_3 = arith.constant 0 : index
    %get3A_4 = vector.load %arg2[%get3A_2, %get3A_3] : memref<128x128xf32, #tpu.memory_space<vmem>>, vector<128x128xf32>
    %dot_general3A = arith.constant dense<0.000000e+00> : vector<1280x128xf32>
    %dot_general3A_5 = tpu.matmul %get3A_1, %get3A_4, %dot_general3A {dimension_numbers = #tpu.dot_dimension_numbers<[1], [0], [0], [1], [0, 0, 1, 1], [], []>, precision = #tpu.contract_precision<fp32>, transpose_lhs_hint = false} : vector<1280x128xf32>, vector<128x128xf32>, vector<1280x128xf32> -> vector<1280x128xf32>
    %swap3A = arith.constant 0 : index
    %swap3A_6 = arith.constant 0 : index
    %swap3A_7 = vector.load %arg3[%swap3A, %swap3A_6] : memref<1280x128xf32, #tpu.memory_space<vmem>>, vector<1280x128xf32>
    tpu.vector_store %arg3[%swap3A, %swap3A_6], %dot_general3A_5 {strides = array<i32>} : memref<1280x128xf32, #tpu.memory_space<vmem>>, vector<1280x128xf32>,
    return
  }
  func.func @transform_0(%arg0: i32) -> (i32, i32) {
    %c0_i32 = arith.constant 0 : i32
    %c0_i32_0 = arith.constant 0 : i32
    return %arg0, %c0_i32 : i32, i32
  }
  func.func @transform_1(%arg0: i32) -> (i32, i32) {
    %c0_i32 = arith.constant 0 : i32
    %c0_i32_0 = arith.constant 0 : i32
    %c0_i32_1 = arith.constant 0 : i32
    return %c0_i32, %c0_i32_0 : i32, i32
  }
  func.func @transform_2(%arg0: i32) -> (i32, i32) {
    %c0_i32 = arith.constant 0 : i32
    %c0_i32_0 = arith.constant 0 : i32
    return %arg0, %c0_i32 : i32, i32
  }
}

module attributes {stable_mosaic.version = 14 : i64} {
  func.func @body(%arg0: i32, %arg1: memref<1280x128xf32, #tpu.memory_space<vmem>>, %arg2: memref<2x1280x128xf32, #tpu.memory_space<vmem>>, %arg3: memref<1280x128xf32, #tpu.memory_space<vmem>>) attributes {dimension_semantics = [#tpu.dimension_semantics<arbitrary>], iteration_bounds = array<i64: 8>, scalar_prefetch = 0 : i64, scratch_operands = 0 : i64, tpu.core_type = #tpu.core_type<tc>, window_params = [{transform_indices = @transform_0, window_bounds = array<i64: 1280, 128>}, {transform_indices = @transform_1, window_bounds = array<i64: 2, 1280, 128>}, {transform_indices = @transform_2, window_bounds = array<i64: 1280, 128>}]} {
    %get3A = arith.constant 0 : index
    %get3A_0 = arith.constant 0 : index
    %get3A_1 = vector.load %arg1[%get3A, %get3A_0] : memref<1280x128xf32, #tpu.memory_space<vmem>>, vector<1280x128xf32>
    %get3A_2 = arith.constant 0 : index
    %get3A_3 = arith.constant 0 : index
    %get3A_4 = arith.constant 0 : index
    %get3A_5 = vector.load %arg2[%get3A_2, %get3A_3, %get3A_4] : memref<2x1280x128xf32, #tpu.memory_space<vmem>>, vector<1x1280x1xf32>
    %get3A_6 = vector.shape_cast %get3A_5 : vector<1x1280x1xf32> to vector<1280x1xf32>
    %get3A_7 = arith.constant 1 : index
    %get3A_8 = arith.constant 0 : index
    %get3A_9 = arith.constant 0 : index
    %get3A_10 = vector.load %arg2[%get3A_7, %get3A_8, %get3A_9] : memref<2x1280x128xf32, #tpu.memory_space<vmem>>, vector<1x1280x1xf32>
    %get3A_11 = vector.shape_cast %get3A_10 : vector<1x1280x1xf32> to vector<1280x1xf32>
    %add3A = arith.addf %get3A_6, %get3A_11 : vector<1280x1xf32>
    %add3A_12 = arith.constant 1.000000e+00 : f32
    %add3A_13 = vector.broadcast %add3A_12 : f32 to vector<1280x1xf32>
    %add3A_14 = arith.addf %add3A, %add3A_13 : vector<1280x1xf32>
    %mul3A = arith.constant 1280 : i32
    %mul3A_15 = arith.muli %arg0, %mul3A : i32
    %iota3A = tpu.iota {dimensions = array<i32: 0>} : vector<1280x1xi32>
    %add3A_16 = vector.broadcast %mul3A_15 : i32 to vector<1280x1xi32>
    %add3A_17 = arith.addi %add3A_16, %iota3A : vector<1280x1xi32>
    %lt3A = arith.constant 10000 : i32
    %lt3A_18 = vector.broadcast %lt3A : i32 to vector<1280x1xi32>
    %lt3A_19 = arith.cmpi slt, %add3A_17, %lt3A_18 : vector<1280x1xi32>
    %rsqrt3A = math.rsqrt %add3A_14 : vector<1280x1xf32>
    %jit3A = arith.constant 0.000000e+00 : f32
    %broadcast_in_dim3A = vector.broadcast %jit3A : f32 to vector<1280x1xf32>
    %select_n3A = arith.select %lt3A_19, %rsqrt3A, %broadcast_in_dim3A : vector<1280x1xi1>, vector<1280x1xf32>
    %mul3A_20 = vector.broadcast %select_n3A : vector<1280x1xf32> to vector<1280x128xf32>
    %mul3A_21 = arith.mulf %get3A_1, %mul3A_20 : vector<1280x128xf32>
    %swap3A = arith.constant 0 : index
    %swap3A_22 = arith.constant 0 : index
    %swap3A_23 = vector.load %arg3[%swap3A, %swap3A_22] : memref<1280x128xf32, #tpu.memory_space<vmem>>, vector<1280x128xf32>
    tpu.vector_store %arg3[%swap3A, %swap3A_22], %mul3A_21 {strides = array<i32>} : memref<1280x128xf32, #tpu.memory_space<vmem>>, vector<1280x128xf32>,
    return
  }
  func.func @transform_0(%arg0: i32) -> (i32, i32) {
    %c0_i32 = arith.constant 0 : i32
    %c0_i32_0 = arith.constant 0 : i32
    return %arg0, %c0_i32 : i32, i32
  }
  func.func @transform_1(%arg0: i32) -> (i32, i32, i32) {
    %c0_i32 = arith.constant 0 : i32
    %c0_i32_0 = arith.constant 0 : i32
    %c0_i32_1 = arith.constant 0 : i32
    return %c0_i32, %arg0, %c0_i32_0 : i32, i32, i32
  }
  func.func @transform_2(%arg0: i32) -> (i32, i32) {
    %c0_i32 = arith.constant 0 : i32
    %c0_i32_0 = arith.constant 0 : i32
    return %arg0, %c0_i32 : i32, i32
  }
}

module attributes {stable_mosaic.version = 14 : i64} {
  func.func @body(%arg0: i32, %arg1: memref<2x1280x128xf32, #tpu.memory_space<vmem>>, %arg2: memref<2x1280x128xf32, #tpu.memory_space<vmem>>, %arg3: memref<1280x128xf32, #tpu.memory_space<vmem>>, %arg4: memref<1x128xf32, #tpu.memory_space<vmem>>, %arg5: memref<128x128xf32, #tpu.memory_space<vmem>>, %arg6: memref<128x128xf32, #tpu.memory_space<vmem>>, %arg7: memref<1x128xf32, #tpu.memory_space<vmem>>, %arg8: memref<1280x128xf32, #tpu.memory_space<vmem>>, %arg9: memref<1280x128xf32, #tpu.memory_space<vmem>>) attributes {dimension_semantics = [#tpu.dimension_semantics<arbitrary>], iteration_bounds = array<i64: 8>, scalar_prefetch = 0 : i64, scratch_operands = 0 : i64, tpu.core_type = #tpu.core_type<tc>, window_params = [{transform_indices = @transform_0, window_bounds = array<i64: 2, 1280, 128>}, {transform_indices = @transform_1, window_bounds = array<i64: 2, 1280, 128>}, {transform_indices = @transform_2, window_bounds = array<i64: 1280, 128>}, {pipeline_mode = #tpu.pipeline_mode<synchronous>, transform_indices = @transform_3, window_bounds = array<i64: 1, 128>}, {pipeline_mode = #tpu.pipeline_mode<synchronous>, transform_indices = @transform_4, window_bounds = array<i64: 128, 128>}, {pipeline_mode = #tpu.pipeline_mode<synchronous>, transform_indices = @transform_5, window_bounds = array<i64: 128, 128>}, {pipeline_mode = #tpu.pipeline_mode<synchronous>, transform_indices = @transform_6, window_bounds = array<i64: 1, 128>}, {transform_indices = @transform_7, window_bounds = array<i64: 1280, 128>}, {transform_indices = @transform_8, window_bounds = array<i64: 1280, 128>}]} {
    %get3A = arith.constant 0 : index
    %get3A_0 = arith.constant 0 : index
    %get3A_1 = arith.constant 0 : index
    %get3A_2 = vector.load %arg1[%get3A, %get3A_0, %get3A_1] : memref<2x1280x128xf32, #tpu.memory_space<vmem>>, vector<1x1280x1xf32>
    %get3A_3 = vector.shape_cast %get3A_2 : vector<1x1280x1xf32> to vector<1280x1xf32>
    %get3A_4 = arith.constant 1 : index
    %get3A_5 = arith.constant 0 : index
    %get3A_6 = arith.constant 0 : index
    %get3A_7 = vector.load %arg1[%get3A_4, %get3A_5, %get3A_6] : memref<2x1280x128xf32, #tpu.memory_space<vmem>>, vector<1x1280x1xf32>
    %get3A_8 = vector.shape_cast %get3A_7 : vector<1x1280x1xf32> to vector<1280x1xf32>
    %add3A = arith.addf %get3A_3, %get3A_8 : vector<1280x1xf32>
    %add3A_9 = arith.constant 1.000000e+00 : f32
    %add3A_10 = vector.broadcast %add3A_9 : f32 to vector<1280x1xf32>
    %add3A_11 = arith.addf %add3A, %add3A_10 : vector<1280x1xf32>
    %mul3A = arith.constant 1280 : i32
    %mul3A_12 = arith.muli %arg0, %mul3A : i32
    %iota3A = tpu.iota {dimensions = array<i32: 0>} : vector<1280x1xi32>
    %add3A_13 = vector.broadcast %mul3A_12 : i32 to vector<1280x1xi32>
    %add3A_14 = arith.addi %add3A_13, %iota3A : vector<1280x1xi32>
    %lt3A = arith.constant 10000 : i32
    %lt3A_15 = vector.broadcast %lt3A : i32 to vector<1280x1xi32>
    %lt3A_16 = arith.cmpi slt, %add3A_14, %lt3A_15 : vector<1280x1xi32>
    %rsqrt3A = math.rsqrt %add3A_11 : vector<1280x1xf32>
    %jit3A = arith.constant 0.000000e+00 : f32
    %broadcast_in_dim3A = vector.broadcast %jit3A : f32 to vector<1280x1xf32>
    %select_n3A = arith.select %lt3A_16, %rsqrt3A, %broadcast_in_dim3A : vector<1280x1xi1>, vector<1280x1xf32>
    %get3A_17 = arith.constant 0 : index
    %get3A_18 = arith.constant 0 : index
    %get3A_19 = arith.constant 0 : index
    %get3A_20 = vector.load %arg2[%get3A_17, %get3A_18, %get3A_19] : memref<2x1280x128xf32, #tpu.memory_space<vmem>>, vector<1x1280x128xf32>
    %get3A_21 = vector.shape_cast %get3A_20 : vector<1x1280x128xf32> to vector<1280x128xf32>
    %get3A_22 = arith.constant 1 : index
    %get3A_23 = arith.constant 0 : index
    %get3A_24 = arith.constant 0 : index
    %get3A_25 = vector.load %arg2[%get3A_22, %get3A_23, %get3A_24] : memref<2x1280x128xf32, #tpu.memory_space<vmem>>, vector<1x1280x128xf32>
    %get3A_26 = vector.shape_cast %get3A_25 : vector<1x1280x128xf32> to vector<1280x128xf32>
    %add3A_27 = arith.addf %get3A_21, %get3A_26 : vector<1280x128xf32>
    %get3A_28 = arith.constant 0 : index
    %get3A_29 = arith.constant 0 : index
    %get3A_30 = vector.load %arg3[%get3A_28, %get3A_29] : memref<1280x128xf32, #tpu.memory_space<vmem>>, vector<1280x128xf32>
    %add3A_31 = arith.addf %add3A_27, %get3A_30 : vector<1280x128xf32>
    %mul3A_32 = vector.broadcast %select_n3A : vector<1280x1xf32> to vector<1280x128xf32>
    %mul3A_33 = arith.mulf %mul3A_32, %add3A_31 : vector<1280x128xf32>
    %get3A_34 = arith.constant 0 : index
    %get3A_35 = arith.constant 0 : index
    %get3A_36 = vector.load %arg4[%get3A_34, %get3A_35] : memref<1x128xf32, #tpu.memory_space<vmem>>, vector<1x128xf32>
    %add3A_37 = vector.broadcast %get3A_36 : vector<1x128xf32> to vector<1280x128xf32>
    %add3A_38 = arith.addf %mul3A_33, %add3A_37 : vector<1280x128xf32>
    %max3A = arith.constant 0.000000e+00 : f32
    %max3A_39 = vector.broadcast %max3A : f32 to vector<1280x128xf32>
    %max3A_40 = arith.maximumf %add3A_38, %max3A_39 : vector<1280x128xf32>
    %get3A_41 = arith.constant 0 : index
    %get3A_42 = arith.constant 0 : index
    %get3A_43 = vector.load %arg7[%get3A_41, %get3A_42] : memref<1x128xf32, #tpu.memory_space<vmem>>, vector<1x128xf32>
    %max3A_44 = arith.constant 0.000000e+00 : f32
    %max3A_45 = vector.broadcast %max3A_44 : f32 to vector<1x128xf32>
    %max3A_46 = arith.maximumf %get3A_43, %max3A_45 : vector<1x128xf32>
    %get3A_47 = arith.constant 0 : index
    %get3A_48 = arith.constant 0 : index
    %get3A_49 = vector.load %arg6[%get3A_47, %get3A_48] : memref<128x128xf32, #tpu.memory_space<vmem>>, vector<128x128xf32>
    %dot_general3A = arith.constant dense<0.000000e+00> : vector<1x128xf32>
    %dot_general3A_50 = tpu.matmul %max3A_46, %get3A_49, %dot_general3A {dimension_numbers = #tpu.dot_dimension_numbers<[1], [0], [0], [1], [0, 0, 1, 1], [], []>, precision = #tpu.contract_precision<fp32>, transpose_lhs_hint = false} : vector<1x128xf32>, vector<128x128xf32>, vector<1x128xf32> -> vector<1x128xf32>
    %get3A_51 = arith.constant 0 : index
    %get3A_52 = arith.constant 0 : index
    %get3A_53 = vector.load %arg5[%get3A_51, %get3A_52] : memref<128x128xf32, #tpu.memory_space<vmem>>, vector<128x128xf32>
    %dot_general3A_54 = arith.constant dense<0.000000e+00> : vector<1280x128xf32>
    %dot_general3A_55 = tpu.matmul %max3A_40, %get3A_53, %dot_general3A_54 {dimension_numbers = #tpu.dot_dimension_numbers<[1], [0], [0], [1], [0, 0, 1, 1], [], []>, precision = #tpu.contract_precision<fp32>, transpose_lhs_hint = false} : vector<1280x128xf32>, vector<128x128xf32>, vector<1280x128xf32> -> vector<1280x128xf32>
    %add3A_56 = vector.broadcast %dot_general3A_50 : vector<1x128xf32> to vector<1280x128xf32>
    %add3A_57 = arith.addf %dot_general3A_55, %add3A_56 : vector<1280x128xf32>
    %mul3A_58 = vector.broadcast %select_n3A : vector<1280x1xf32> to vector<1280x128xf32>
    %mul3A_59 = arith.mulf %add3A_57, %mul3A_58 : vector<1280x128xf32>
    %swap3A = arith.constant 0 : index
    %swap3A_60 = arith.constant 0 : index
    %swap3A_61 = vector.load %arg8[%swap3A, %swap3A_60] : memref<1280x128xf32, #tpu.memory_space<vmem>>, vector<1280x128xf32>
    tpu.vector_store %arg8[%swap3A, %swap3A_60], %mul3A_59 {strides = array<i32>} : memref<1280x128xf32, #tpu.memory_space<vmem>>, vector<1280x128xf32>,
    %swap3A_62 = arith.constant 0 : index
    %swap3A_63 = arith.constant 0 : index
    %swap3A_64 = vector.load %arg9[%swap3A_62, %swap3A_63] : memref<1280x128xf32, #tpu.memory_space<vmem>>, vector<1280x128xf32>
    tpu.vector_store %arg9[%swap3A_62, %swap3A_63], %add3A_38 {strides = array<i32>} : memref<1280x128xf32, #tpu.memory_space<vmem>>, vector<1280x128xf32>,
    return
  }
  func.func @transform_0(%arg0: i32) -> (i32, i32, i32) {
    %c0_i32 = arith.constant 0 : i32
    %c0_i32_0 = arith.constant 0 : i32
    %c0_i32_1 = arith.constant 0 : i32
    return %c0_i32, %arg0, %c0_i32_0 : i32, i32, i32
  }
  func.func @transform_1(%arg0: i32) -> (i32, i32, i32) {
    %c0_i32 = arith.constant 0 : i32
    %c0_i32_0 = arith.constant 0 : i32
    %c0_i32_1 = arith.constant 0 : i32
    return %c0_i32, %arg0, %c0_i32_0 : i32, i32, i32
  }
  func.func @transform_2(%arg0: i32) -> (i32, i32) {
    %c0_i32 = arith.constant 0 : i32
    %c0_i32_0 = arith.constant 0 : i32
    return %arg0, %c0_i32 : i32, i32
  }
  func.func @transform_3(%arg0: i32) -> (i32, i32) {
    %c0_i32 = arith.constant 0 : i32
    %c0_i32_0 = arith.constant 0 : i32
    %c0_i32_1 = arith.constant 0 : i32
    return %c0_i32, %c0_i32_0 : i32, i32
  }
  func.func @transform_4(%arg0: i32) -> (i32, i32) {
    %c0_i32 = arith.constant 0 : i32
    %c0_i32_0 = arith.constant 0 : i32
    %c0_i32_1 = arith.constant 0 : i32
    return %c0_i32, %c0_i32_0 : i32, i32
  }
  func.func @transform_5(%arg0: i32) -> (i32, i32) {
    %c0_i32 = arith.constant 0 : i32
    %c0_i32_0 = arith.constant 0 : i32
    %c0_i32_1 = arith.constant 0 : i32
    return %c0_i32, %c0_i32_0 : i32, i32
  }
  func.func @transform_6(%arg0: i32) -> (i32, i32) {
    %c0_i32 = arith.constant 0 : i32
    %c0_i32_0 = arith.constant 0 : i32
    %c0_i32_1 = arith.constant 0 : i32
    return %c0_i32, %c0_i32_0 : i32, i32
  }
  func.func @transform_7(%arg0: i32) -> (i32, i32) {
    %c0_i32 = arith.constant 0 : i32
    %c0_i32_0 = arith.constant 0 : i32
    return %arg0, %c0_i32 : i32, i32
  }
  func.func @transform_8(%arg0: i32) -> (i32, i32) {
    %c0_i32 = arith.constant 0 : i32
    %c0_i32_0 = arith.constant 0 : i32
    return %arg0, %c0_i32 : i32, i32
  }
}

module attributes {stable_mosaic.version = 14 : i64} {
  func.func @body(%arg0: i32, %arg1: memref<2x1280x128xf32, #tpu.memory_space<vmem>>, %arg2: memref<2x1280x128xf32, #tpu.memory_space<vmem>>, %arg3: memref<1280x128xf32, #tpu.memory_space<vmem>>, %arg4: memref<1x128xf32, #tpu.memory_space<vmem>>, %arg5: memref<1x128xf32, #tpu.memory_space<vmem>>, %arg6: memref<1280x254xf32, #tpu.memory_space<vmem>>) attributes {dimension_semantics = [#tpu.dimension_semantics<arbitrary>], iteration_bounds = array<i64: 8>, scalar_prefetch = 0 : i64, scratch_operands = 0 : i64, tpu.core_type = #tpu.core_type<tc>, window_params = [{transform_indices = @transform_0, window_bounds = array<i64: 2, 1280, 128>}, {transform_indices = @transform_1, window_bounds = array<i64: 2, 1280, 128>}, {transform_indices = @transform_2, window_bounds = array<i64: 1280, 128>}, {pipeline_mode = #tpu.pipeline_mode<synchronous>, transform_indices = @transform_3, window_bounds = array<i64: 1, 128>}, {pipeline_mode = #tpu.pipeline_mode<synchronous>, transform_indices = @transform_4, window_bounds = array<i64: 1, 128>}, {transform_indices = @transform_5, window_bounds = array<i64: 1280, 254>}]} {
    %get3A = arith.constant 0 : index
    %get3A_0 = arith.constant 0 : index
    %get3A_1 = arith.constant 0 : index
    %get3A_2 = vector.load %arg1[%get3A, %get3A_0, %get3A_1] : memref<2x1280x128xf32, #tpu.memory_space<vmem>>, vector<1x1280x1xf32>
    %get3A_3 = vector.shape_cast %get3A_2 : vector<1x1280x1xf32> to vector<1280x1xf32>
    %get3A_4 = arith.constant 1 : index
    %get3A_5 = arith.constant 0 : index
    %get3A_6 = arith.constant 0 : index
    %get3A_7 = vector.load %arg1[%get3A_4, %get3A_5, %get3A_6] : memref<2x1280x128xf32, #tpu.memory_space<vmem>>, vector<1x1280x1xf32>
    %get3A_8 = vector.shape_cast %get3A_7 : vector<1x1280x1xf32> to vector<1280x1xf32>
    %add3A = arith.addf %get3A_3, %get3A_8 : vector<1280x1xf32>
    %add3A_9 = arith.constant 1.000000e+00 : f32
    %add3A_10 = vector.broadcast %add3A_9 : f32 to vector<1280x1xf32>
    %add3A_11 = arith.addf %add3A, %add3A_10 : vector<1280x1xf32>
    %mul3A = arith.constant 1280 : i32
    %mul3A_12 = arith.muli %arg0, %mul3A : i32
    %iota3A = tpu.iota {dimensions = array<i32: 0>} : vector<1280x1xi32>
    %add3A_13 = vector.broadcast %mul3A_12 : i32 to vector<1280x1xi32>
    %add3A_14 = arith.addi %add3A_13, %iota3A : vector<1280x1xi32>
    %lt3A = arith.constant 10000 : i32
    %lt3A_15 = vector.broadcast %lt3A : i32 to vector<1280x1xi32>
    %lt3A_16 = arith.cmpi slt, %add3A_14, %lt3A_15 : vector<1280x1xi32>
    %rsqrt3A = math.rsqrt %add3A_11 : vector<1280x1xf32>
    %jit3A = arith.constant 0.000000e+00 : f32
    %broadcast_in_dim3A = vector.broadcast %jit3A : f32 to vector<1280x1xf32>
    %select_n3A = arith.select %lt3A_16, %rsqrt3A, %broadcast_in_dim3A : vector<1280x1xi1>, vector<1280x1xf32>
    %get3A_17 = arith.constant 0 : index
    %get3A_18 = arith.constant 0 : index
    %get3A_19 = arith.constant 0 : index
    %get3A_20 = vector.load %arg2[%get3A_17, %get3A_18, %get3A_19] : memref<2x1280x128xf32, #tpu.memory_space<vmem>>, vector<1x1280x128xf32>
    %get3A_21 = vector.shape_cast %get3A_20 : vector<1x1280x128xf32> to vector<1280x128xf32>
    %get3A_22 = arith.constant 1 : index
    %get3A_23 = arith.constant 0 : index
    %get3A_24 = arith.constant 0 : index
    %get3A_25 = vector.load %arg2[%get3A_22, %get3A_23, %get3A_24] : memref<2x1280x128xf32, #tpu.memory_space<vmem>>, vector<1x1280x128xf32>
    %get3A_26 = vector.shape_cast %get3A_25 : vector<1x1280x128xf32> to vector<1280x128xf32>
    %add3A_27 = arith.addf %get3A_21, %get3A_26 : vector<1280x128xf32>
    %get3A_28 = arith.constant 0 : index
    %get3A_29 = arith.constant 0 : index
    %get3A_30 = vector.load %arg3[%get3A_28, %get3A_29] : memref<1280x128xf32, #tpu.memory_space<vmem>>, vector<1280x128xf32>
    %add3A_31 = arith.addf %add3A_27, %get3A_30 : vector<1280x128xf32>
    %mul3A_32 = vector.broadcast %select_n3A : vector<1280x1xf32> to vector<1280x128xf32>
    %mul3A_33 = arith.mulf %mul3A_32, %add3A_31 : vector<1280x128xf32>
    %get3A_34 = arith.constant 0 : index
    %get3A_35 = arith.constant 0 : index
    %get3A_36 = vector.load %arg4[%get3A_34, %get3A_35] : memref<1x128xf32, #tpu.memory_space<vmem>>, vector<1x128xf32>
    %add3A_37 = vector.broadcast %get3A_36 : vector<1x128xf32> to vector<1280x128xf32>
    %add3A_38 = arith.addf %mul3A_33, %add3A_37 : vector<1280x128xf32>
    %max3A = arith.constant 0.000000e+00 : f32
    %max3A_39 = vector.broadcast %max3A : f32 to vector<1280x128xf32>
    %max3A_40 = arith.maximumf %add3A_38, %max3A_39 : vector<1280x128xf32>
    %get3A_41 = arith.constant 0 : index
    %get3A_42 = arith.constant 0 : index
    %get3A_43 = vector.load %arg5[%get3A_41, %get3A_42] : memref<1x128xf32, #tpu.memory_space<vmem>>, vector<1x128xf32>
    %broadcast_in_dim3A_44 = vector.shape_cast %get3A_43 : vector<1x128xf32> to vector<1x128xf32>
    %broadcast_in_dim3A_45 = vector.broadcast %broadcast_in_dim3A_44 : vector<1x128xf32> to vector<1280x128xf32>
    %concatenate3A = tpu.concatenate %broadcast_in_dim3A_45, %max3A_40 in 1 : vector<1280x128xf32>, vector<1280x128xf32> -> vector<1280x256xf32>
    %slice3A = vector.extract_strided_slice %concatenate3A {offsets = [0, 0], sizes = [1280, 254], strides = [1, 1]} : vector<1280x256xf32> to vector<1280x254xf32>
    %slice3A_46 = vector.extract_strided_slice %concatenate3A {offsets = [0, 1], sizes = [1280, 254], strides = [1, 1]} : vector<1280x256xf32> to vector<1280x254xf32>
    %add3A_47 = arith.addf %slice3A, %slice3A_46 : vector<1280x254xf32>
    %slice3A_48 = vector.extract_strided_slice %concatenate3A {offsets = [0, 2], sizes = [1280, 254], strides = [1, 1]} : vector<1280x256xf32> to vector<1280x254xf32>
    %add3A_49 = arith.addf %add3A_47, %slice3A_48 : vector<1280x254xf32>
    %mul3A_50 = arith.constant 0.333333343 : f32
    %mul3A_51 = vector.broadcast %mul3A_50 : f32 to vector<1280x254xf32>
    %mul3A_52 = arith.mulf %add3A_49, %mul3A_51 : vector<1280x254xf32>
    %swap3A = arith.constant 0 : index
    %swap3A_53 = arith.constant 0 : index
    %swap3A_54 = vector.load %arg6[%swap3A, %swap3A_53] : memref<1280x254xf32, #tpu.memory_space<vmem>>, vector<1280x254xf32>
    tpu.vector_store %arg6[%swap3A, %swap3A_53], %mul3A_52 {strides = array<i32>} : memref<1280x254xf32, #tpu.memory_space<vmem>>, vector<1280x254xf32>,
    return
  }
  func.func @transform_0(%arg0: i32) -> (i32, i32, i32) {
    %c0_i32 = arith.constant 0 : i32
    %c0_i32_0 = arith.constant 0 : i32
    %c0_i32_1 = arith.constant 0 : i32
    return %c0_i32, %arg0, %c0_i32_0 : i32, i32, i32
  }
  func.func @transform_1(%arg0: i32) -> (i32, i32, i32) {
    %c0_i32 = arith.constant 0 : i32
    %c0_i32_0 = arith.constant 0 : i32
    %c0_i32_1 = arith.constant 0 : i32
    return %c0_i32, %arg0, %c0_i32_0 : i32, i32, i32
  }
  func.func @transform_2(%arg0: i32) -> (i32, i32) {
    %c0_i32 = arith.constant 0 : i32
    %c0_i32_0 = arith.constant 0 : i32
    return %arg0, %c0_i32 : i32, i32
  }
  func.func @transform_3(%arg0: i32) -> (i32, i32) {
    %c0_i32 = arith.constant 0 : i32
    %c0_i32_0 = arith.constant 0 : i32
    %c0_i32_1 = arith.constant 0 : i32
    return %c0_i32, %c0_i32_0 : i32, i32
  }
  func.func @transform_4(%arg0: i32) -> (i32, i32) {
    %c0_i32 = arith.constant 0 : i32
    %c0_i32_0 = arith.constant 0 : i32
    %c0_i32_1 = arith.constant 0 : i32
    return %c0_i32, %c0_i32_0 : i32, i32
  }
  func.func @transform_5(%arg0: i32) -> (i32, i32) {
    %c0_i32 = arith.constant 0 : i32
    %c0_i32_0 = arith.constant 0 : i32
    return %arg0, %c0_i32 : i32, i32
  }
}

</mosaic_0001>

<sc_bundles>
// kernel: kernel.12.cloned.1.call-start
scs
__scs_entry_jumppad:
0x0: {  	(pc) =	sbr.rel $0x88, $3  }
0x1: {  	(tag) =	ssettag $0x0;
	lr =	simm.s32 $0x1  }
0x2: {  	[smem:$0x3F9A] =	sst lr;
	_ =	strace $0xD0000000  }
0x3: {  	_ = 	snop  }
0x4: {  	_ = 	snop  }
0x5: {  	_ = 	snop  }
0x6: {  	_ = 	snop  }
0x7: {  	_ = 	snop  }
__scs_overlays_trampoline_lowered:
0x8: {  	[smem:$0x3FA9] =	sst s0  }
0x9: {  	[smem:$0x3FAA] =	sst s1  }
0xa: {  	[smem:$0x3FAB] =	sst s2  }
0xb: {  	[smem:$0x3FAC] =	sst s3  }
0xc: {  	[smem:$0x3FAD] =	sst s4  }
0xd: {  	[smem:$0x3FAE] =	sst s5  }
0xe: {  	[smem:$0x3FAF] =	sst s6  }
0xf: {  	[smem:$0x3FB0] =	sst s7  }
0x10: {  	[smem:$0x3FB1] =	sst s8  }
0x11: {  	[smem:$0x3FB2] =	sst s9;
	s0 =	simm.s32 @!p0 $0x0  }
0x12: {  	s1 =	sld [smem:$0x3F98];
	s0 =	simm.s32 @p0 $0x1  }
0x13: {  	[smem:$0x3FB3] =	sst s0;
	s0 =	simm.s32 @!p1 $0x0  }
0x14: {  	s2 =	sld [smem:$0x3F97];
	s0 =	simm.s32 @p1 $0x1  }
0x15: {  	[smem:$0x3FB4] =	sst s0;
	s0 =	simm.s32 @!p2 $0x0  }
0x16: {  	s3 =	sld [smem:$0x3FDB];
	s0 =	simm.s32 @p2 $0x1  }
0x17: {  	s4 =	simm.s32 $0x1BF5;
	[smem:$0x3FB6] =	sst s0  }
0x18: {  	s0 =	sld [smem:$0x3F99];
	_ =	swait.ge [sflag:s4], $0x0  }
0x19: {  	s7 =	sld [smem:$0x3F9A]  }
0x1a: {  	s8 =	sadd.s32 $0xFFFFE003, lr  }
0x1b: {  	s9 =	sadd.s32 $0xFFFFFEF7, lr;
	s5 =	simm.s32 $0xFFFFFFFF;
	p2 =	slt.u32 s8, $0xFFFFF086  }
0x1c: {  	p1 =	slt.u32 s9, $0xF7A;
	s5 =	simm.s32 @!p2 $0x0  }
0x1d: {  	s5 =	simm.s32 @p1 $0x1;
	p0 =	seq.s32 s7, s2  }
0x1e: {  	s7 =	smul.u32 @!p0 $0xF7A, s2;
	p2 =	seq.s32 @!p0 s5, $0x0  }
0x1f: {  	s9 =	smul.u32 $0xF7A, s1;
	s8 =	simm.s32 @!p0 $0x1BF5;
	p2 =	por !p2, p0  }
0x20: {  	[sflag:s8] =	ssyncset.s32 @!p0 $0xFFFFF086;
	s6 =	sadd.s32 @!p0 s3, s7;
	s7 =	simm.s32 @!p0 $0x108  }
0x21: {  	s3 =	sadd.s32 s3, s9;
	s6 =	sadd.s32 @!p0 $0x88, s6;
	s7 =	simm.s32 @p2 $0x1082  }
0x22: {  	[simem:s7], [sflag:s8] =	dma.local @!p0 [hbm:s6], $0xF7A  }
0x23: {  	s9 =	sor.u32 $0xD0000000, s2;
	s6 =	simm.s32 $0x108;
	_ =	swait.ge @!p0 [sflag:s8], $0x0  }
0x24: {  	s3 =	sadd.s32 $0x88, s3;
	s6 =	simm.s32 @!p1 $0x1082;
	[sflag:s4] =	ssyncset.s32 $0xFFFFF086  }
0x25: {  	[simem:s6], [sflag:s4] =	dma.local [hbm:s3], $0xF7A  }
0x26: {  	[smem:$0x3F9A] =	sst s1;
	(tag) =	ssettag s2;
	_ =	strace s9  }
0x27: {  	s1 =	sld [smem:$0x3FAA]  }
0x28: {  	s2 =	sld [smem:$0x3FAB]  }
0x29: {  	s4 =	sld [smem:$0x3FAD]  }
0x2a: {  	p0 =	seq.s32 s5, $0x0;
	s5 =	sld [smem:$0x3FAE]  }
0x2b: {  	s6 =	sld [smem:$0x3FAF]  }
0x2c: {  	s7 =	sld [smem:$0x3FB0]  }
0x2d: {  	s3 =	simm.s32 $0x108;
	s8 =	sld [smem:$0x3FB1]  }
0x2e: {  	s3 =	simm.s32 @!p0 $0x1082;
	s9 =	sld [smem:$0x3FB2]  }
0x2f: {  	lr =	sadd.s32 s0, s3;
	s0 =	sld [smem:$0x3FA9]  }
0x30: {  	s3 =	sld [smem:$0x3FAC]  }
0x31: {  	[smem:$0x3FB5] =	sst s10  }
0x32: {  	s10 =	sld [smem:$0x3FB3];
	_ =	sdelay $0x3  }
0x33: {  	p0 =	seq.s32 s10, $0x1;
	s10 =	sld [smem:$0x3FB5];
	_ =	sdelay $0x3  }
0x34: {  	[smem:$0x3FB5] =	sst s10  }
0x35: {  	s10 =	sld [smem:$0x3FB4];
	_ =	sdelay $0x3  }
0x36: {  	p1 =	seq.s32 s10, $0x1;
	s10 =	sld [smem:$0x3FB5];
	_ =	sdelay $0x3  }
0x37: {  	[smem:$0x3FB5] =	sst s10  }
0x38: {  	s10 =	sld [smem:$0x3FB6]  }
0x39: {  	_ = 	snop;
	(pc) =	sbr.ind lr, $3  }
0x3a: {  	_ = 	snop  }
0x3b: {  	_ = 	snop  }
0x3c: {  	p2 =	seq.s32 s10, $0x1;
	s10 =	sld [smem:$0x3FB5]  }
0x3d: {  	_ =	shalt  }
0x3e: {  	_ =	shalt  }
0x3f: {  	_ =	shalt  }
0x40: {  	_ =	shalt  }
0x41: {  	_ =	shalt  }
0x42: {  	_ =	shalt  }
0x43: {  	_ =	shalt  }
0x44: {  	_ =	shalt  }
0x45: {  	_ =	shalt  }
0x46: {  	_ =	shalt  }
0x47: {  	_ =	shalt  }
0x48: {  	_ =	shalt  }
0x49: {  	_ =	shalt  }
0x4a: {  	_ =	shalt  }
0x4b: {  	_ =	shalt  }
0x4c: {  	_ =	shalt  }
0x4d: {  	_ =	shalt  }
0x4e: {  	_ =	shalt  }
0x4f: {  	_ =	shalt  }
0x50: {  	_ =	shalt  }
0x51: {  	_ =	shalt  }
0x52: {  	_ =	shalt  }
0x53: {  	_ =	shalt  }
0x54: {  	_ =	shalt  }
0x55: {  	_ =	shalt  }
0x56: {  	_ =	shalt  }
0x57: {  	_ =	shalt  }
0x58: {  	_ =	shalt  }
0x59: {  	_ =	shalt  }
0x5a: {  	_ =	shalt  }
0x5b: {  	_ =	shalt  }
0x5c: {  	_ =	shalt  }
0x5d: {  	_ =	shalt  }
0x5e: {  	_ =	shalt  }
0x5f: {  	_ =	shalt  }
0x60: {  	_ =	shalt  }
0x61: {  	_ =	shalt  }
0x62: {  	_ =	shalt  }
0x63: {  	_ =	shalt  }
0x64: {  	_ =	shalt  }
0x65: {  	_ =	shalt  }
0x66: {  	_ =	shalt  }
0x67: {  	_ =	shalt  }
0x68: {  	_ =	shalt  }
0x69: {  	_ =	shalt  }
0x6a: {  	_ =	shalt  }
0x6b: {  	_ =	shalt  }
0x6c: {  	_ =	shalt  }
0x6d: {  	_ =	shalt  }
0x6e: {  	_ =	shalt  }
0x6f: {  	_ =	shalt  }
0x70: {  	_ =	shalt  }
0x71: {  	_ =	shalt  }
0x72: {  	_ =	shalt  }
0x73: {  	_ =	shalt  }
0x74: {  	_ =	shalt  }
0x75: {  	_ =	shalt  }
0x76: {  	_ =	shalt  }
0x77: {  	_ =	shalt  }
0x78: {  	_ =	shalt  }
0x79: {  	_ =	shalt  }
0x7a: {  	_ =	shalt  }
0x7b: {  	_ =	shalt  }
0x7c: {  	_ =	shalt  }
0x7d: {  	_ =	shalt  }
0x7e: {  	_ =	shalt  }
0x7f: {  	_ =	shalt  }
0x80: {  	_ =	shalt  }
0x81: {  	_ =	shalt  }
0x82: {  	_ =	shalt  }
0x83: {  	_ =	shalt  }
0x84: {  	_ =	shalt  }
0x85: {  	_ =	shalt  }
0x86: {  	_ =	shalt  }
0x87: {  	_ =	shalt  }
.Lfunc_end0:
.L_simem_size_0:
called_computation.1_lowered:
.L_overlay_start_0:
0x88: {  	s2 =	sld [smem:$0x3FD9]  }
0x89: {  	s3 =	sld [smem:$0x3FFE];
	_ =	sdelay $0x1  }
0x8a: {  	s1 =	srdreg.scid  }
0x8b: {  	s0 =	sand.u32 $0x1, s1  }
0x8c: {  	s17 =	sshll.u32 s0, $0xA;
	s2 =	sadd.s32 s3, s2  }
0x8d: {  	s2 =	sadd.s32 s2, s17  }
0x8e: {  	[smem:$0x3FC1] =	sst s2  }
0x8f: {  	_ = 	snop  }
0x90: {  	s2 =	sld [smem:$0x3FD0];
	(tm) =	ssettm $0x1  }
0x91: {  	s18 =	sld [smem:$0x3FFB];
	_ =	sdelay $0x3  }
0x92: {  	_ =	strace s18  }
0x93: {  	s3 =	sld [smem:$0x3FFC];
	_ =	sdelay $0x3  }
0x94: {  	_ =	strace s3  }
0x95: {  	s3 =	sld [smem:$0x3FFD];
	_ =	sdelay $0x3  }
0x96: {  	_ =	strace s3  }
0x97: {  	_ =	strace $0x8FFFFFFF  }
0x98: {  	s19 =	sld [smem:$0x3FDB];
	_ =	sdelay $0x1  }
0x99: {  	s4 =	simm.s32 $_scs_section_size  }
0x9a: {  	s5 =	simm.s32 $_size__tile_overlayer_lowered;
	s6 =	simm.s32 $_tile_overlayer_lowered  }
0x9b: {  	s22 =	simm.s32 $0x1BFF;
	s21 =	sshll.u32 s6, $0x1;
	s3 =	sadd.s32 s4, s19  }
0x9c: {  	s7 =	simm.s32 $0x0;
	s20 =	sshll.u32 s5, $0x1;
	s5 =	sadd.s32 s21, s3  }
0x9d: {  	[timem:s7], [sflag:s22] =	dma.local [hbm:s5], s20  }
0x9e: {  	_ =	swait.ge [sflag:s22], s20  }
0x9f: {  	s4 =	ssub.s32 $0x0, s20;
	[sflag:s22] =	ssyncset.done $0x0  }
0xa0: {  	[sflag:s22] =	ssyncadd.s32 s4;
	_ =	sdelay $0x1  }
0xa1: {  	s23 =	simm.s32 $0x1B8B  }
0xa2: {  	_ =	swait.ge [sflag:s23], $0x1  }
0xa3: {  	[sflag:s23] =	ssyncset.done $0x0  }
0xa4: {  	s25 =	simm.s32 $0x1B8E;
	s24 =	sld [smem:$0x3FFE];
	[sflag:s23] =	ssyncadd.s32 $0xFFFFFFFF  }
0xa5: {  	s26 =	simm.s32 $execute0_lowered;
	[smem:$0x3FD2] =	sst s25  }
0xa6: {  	s5 =	sshll.u32 s26, $0x1;
	_ =	strace $0x80000049;
	[dreg:$0x1] =	wrdreg $0xFFFFFFFF  }
0xa7: {  	s28 =	simm.s32 $_size_execute0_lowered;
	s3 =	sadd.s32 s3, s5;
	[dreg:$0x0] =	wrdreg $0x0  }
0xa8: {  	s5 =	sshll.u32 s28, $0x1;
	[dreg:$0x2] =	wrdreg s3  }
0xa9: {  	[dreg:$0x3] =	wrdreg s5  }
0xaa: {  	[dreg:$0x4] =	wrdreg $0xC0  }
0xab: {  	_ =	task [dreg:s7], $0x5FFFF  }
0xac: {  	[dreg:$0x1] =	wrdreg $0xFFFFFFFF  }
0xad: {  	[dreg:$0x0] =	wrdreg $0x60  }
0xae: {  	[dreg:$0x2] =	wrdreg s2  }
0xaf: {  	[dreg:$0x3] =	wrdreg s24  }
0xb0: {  	[dreg:$0x4] =	wrdreg $0x82000  }
0xb1: {  	[dreg:$0x5] =	wrdreg $0x9  }
0xb2: {  	_ =	task.clear_ibuf [dreg:s7], $0x6FFFF;
	_ =	strace $0x90000049  }
0xb3: {  	s29 =	simm.s32 $0x9;
	_ =	strace $0x8000004B  }
0xb4: {  	_ =	swait.ge [sflag:s29], $0x1  }
0xb5: {  	[sflag:s29] =	ssyncadd.s32 $0xFFFFFFFF  }
0xb6: {  	_ =	strace $0x9000004B  }
0xb7: {  	_ =	sfence  }
0xb8: {  	s30 =	sld [smem:$0x0];
	_ =	sdelay $0x2  }
0xb9: {  	s31 =	sshll.u32 s1, $0xD;
	s1 =	sshrl.u32 s1, $0x2  }
0xba: {  	s3 =	sand.u32 $0x4000, s31;
	s1 =	sadd.s32 s1, s30  }
0xbb: {  	s0 =	sor.u32 s3, s0;
	s1 =	sshll.u32 s1, $0x11  }
0xbc: {  	s0 =	sor.u32 s1, s0  }
0xbd: {  	s0 =	sadd.s32 $0x8F2B, s0  }
0xbe: {  	[sflag:s0] =	ssyncadd.remote.s32 $0x1  }
0xbf: {  	_ =	sfence.sel $0xFFFF  }
0xc0: {  	[dreg:$0x0] =	wrdreg $0xFFFFFFFF;
	(pc) =	sbr.abs _section_cstart, $3  }
0xc1: {  	[dreg:$0x1] =	wrdreg $0xFFFFFFFF  }
0xc2: {  	_ =	task.clear_ibuf [dreg:s7], $0x2FFFF;
	_ =	strace $0x9FFFFFFF  }
0xc3: {  	(tm) =	ssettm $0x7FFFFFFF  }
tec
execute0_lowered:
.L_overlay_start_1:
0x0: {  	(tag) =	ssettag $0x1  }
0x1: {  	s1 =	rddreg [dreg:$0x0]  }
0x2: {  	s0 =	rddreg [dreg:$0x1]  }
0x3: {  	s2 =	rddreg [dreg:$0x2];
	s3 =	srdreg.scid  }
0x4: {  	s4 =	simm.s32 $0x0;
	s11 =	stileid.u32;
	s28 =	simm.s32 $0x180  }
0x5: {  	s29 =	simm.s32 $0x2;
	s30 =	simm.s32 $0x4200;
	s6 =	smul.u32 $0x14000, s11  }
0x6: {  	s31 =	simm.s32 $0x3;
	s3 =	sand.u32 $0x1, s3;
	s8 =	smul.u32 $0x50000, s11  }
0x7: {  	[smem:$0x7FF] =	sst s4;
	s7 =	sshll.u32 s11, $0x1;
	s24 =	smul.u32 $0x5000, s11  }
0x8: {  	s21 =	sadd.s32 $0x5CE00, s0;
	s20 =	sadd.s32 $0x2E00, s0;
	s5 =	smul.u32 $0x140000, s3  }
0x9: {  	s7 =	sor.u32 s3, s7;
	s19 =	ssub.s32 $0x2, s3;
	s3 =	smul.u32 $0x2800, s3  }
0xa: {  	_ =	strace $0x8000004A;
	s18 =	smul.u32 $0x2800, s7;
	s5 =	sadd.s32 s6, s5  }
0xb: {  	s22 =	sshrl.u32 s19, $0x1;
	s8 =	sshrl.u32 s8, $0x2;
	s5 =	sshrl.u32 s5, $0x3  }
0xc: {  	s23 =	sshrl.u32 s18, $0x3;
	s12 =	sor.u32 $0x80, s18;
	s6 =	sor.u32 $0x100, s18  }
0xd: {  	s0 =	sadd.s32 s5, s0;
	s5 =	ssub.s32 s19, s22;
	s9 =	sadd.s32 s21, s23  }
0xe: {  	s7 =	sadd.s32 s20, s23;
	s25 =	sshrl.u32 s12, $0x3;
	s26 =	sshrl.u32 s6, $0x3  }
0xf: {  	s22 =	simm.s32 $0x100;
	s23 =	simm.s32 $0x200;
	[dreg:$0x4] =	wrdreg s9  }
0x10: {  	[dreg:$0x5] =	wrdreg s7;
	s7 =	sadd.s32 s8, s2;
	s8 =	sadd.s32 $0x66E00, s0  }
0x11: {  	s9 =	smax.u32 s5, $0x1;
	s14 =	sadd.s32 s21, s25;
	s15 =	sadd.s32 s20, s25  }
0x12: {  	s0 =	sadd.s32 s3, s24;
	s16 =	sadd.s32 s21, s26;
	s17 =	sadd.s32 s20, s26  }
0x13: {  	s24 =	simm.s32 $0x5;
	s25 =	simm.s32 $0x1;
	s26 =	simm.s32 $0x80  }
.Ltmp0:
0x14: {  	s10 =	sadd.s32 $0x4000, s7;
	s11 =	sadd.s32 $0x8000, s7;
	(pc) =	sbr.rel .LBB2_1-.Ltmp0, $4  }
0x15: {  	s12 =	sadd.s32 $0xC000, s7;
	s3 =	sor.u32 $0x200, s0;
	s0 =	sor.u32 $0x180, s0  }
0x16: {  	s13 =	sadd.s32 $0x10000, s7;
	s3 =	sshrl.u32 s3, $0x3;
	s0 =	sshrl.u32 s0, $0x3  }
0x17: {  	s18 =	sadd.s32 s3, s20;
	s19 =	sadd.s32 s3, s21;
	s20 =	sadd.s32 s0, s20  }
0x18: {  	v0 =	vimm.f32 $0.0e+00;
	s21 =	sadd.s32 s0, s21;
	s0 =	simm.s32 $0x4;
	s3 =	simm.s32 $0x0  }
.LBB2_6:
0x19: {  	_ =	swait.ge [sflag:s0], $0x4000  }
0x1a: {  	[sflag:s0] =	ssyncset.done $0x0  }
0x1b: {  	[sflag:s0] =	ssyncadd.s32 $0xFFFFC000  }
0x1c: {  	[spmem:s2] =	stream.indirect.scatter.add.f32 [tilespmem:s30], [sflag:$0x5], $0x80, s28, s26, $0xb8;
	[tilespmem:$0x1C200] =	vst v63  }
0x1d: {  	s5 =	stileid.u32;
	_ =	swait.ge [sflag:s24], $0x4000  }
0x1e: {  	s6 =	sshrl.u32 s7, $0x3;
	s3 =	sadd.s32 $0x1, s3;
	[sflag:s24] =	ssyncset.done $0x0  }
0x1f: {  	s5 =	sshll.u32 s5, $0x6;
	p0 =	sne.s32 s3, s9;
	[sflag:s24] =	ssyncadd.s32 $0xFFFFC000  }
.Ltmp1:
0x20: {  	s5 =	sor.u32 $0x1C05, s5;
	[bflag:$0x0] =	sbarrier.arrive $0xFFFF;
	(pc) =	sbr.rel @!p0 .LBB2_7-.Ltmp1, $4  }
0x21: {  	[hbm:s8], [sflag:s5] =	dma.local [spmem:s6], $0x2800  }
0x22: {  	_ =	swait.ge [sflag:s24], $0x2800  }
0x23: {  	[sflag:s24] =	ssyncset.done $0x0  }
0x24: {  	[sflag:s24] =	ssyncadd.s32 $0xFFFFD800  }
.LBB2_1:
0x25: {  	s5 =	rddreg [dreg:$0x4]  }
0x26: {  	[tilespmem:s4], [sflag:$0x1] =	stream.linear.gather [hbm4b:s5+s4], $0x80, $0x38;
	[tilespmem:$0x1C200] =	vst v63  }
0x27: {  	s6 =	rddreg [dreg:$0x5]  }
0x28: {  	[tilespmem:s22], [sflag:$0x1] =	stream.linear.gather [hbm4b:s6+s4], $0x80, $0x38;
	[tilespmem:$0x1C200] =	vst v63  }
0x29: {  	s5 =	simm.s32 $0x0;
	s6 =	simm.s32 $0x200  }
.LBB2_2:
0x2a: {  	p0 =	sne.s32 s6, $0xFE00;
	[tilespmem:s5+$0x270] =	vst v0  }
0x2b: {  	[tilespmem:s5+$0x200] =	vst v0  }
0x2c: {  	[tilespmem:s5+$0x210] =	vst v0  }
.Ltmp2:
0x2d: {  	[tilespmem:s5+$0x220] =	vst v0;
	(pc) =	sbr.rel @p0 .LBB2_2-.Ltmp2, $4  }
0x2e: {  	[tilespmem:s5+$0x230] =	vst v0  }
0x2f: {  	[tilespmem:s5+$0x240] =	vst v0  }
0x30: {  	[tilespmem:s5+$0x250] =	vst v0  }
0x31: {  	[tilespmem:s5+$0x260] =	vst v0;
	s5 =	sshra.s32 s6, $0x2;
	s6 =	sadd.s32 $0x200, s6  }
0x32: {  	[tilespmem:s5+$0x270] =	vst v0  }
0x33: {  	[tilespmem:s5+$0x200] =	vst v0  }
0x34: {  	[tilespmem:s5+$0x210] =	vst v0  }
0x35: {  	[tilespmem:s5+$0x220] =	vst v0  }
0x36: {  	[tilespmem:s5+$0x230] =	vst v0  }
0x37: {  	[tilespmem:s5+$0x240] =	vst v0  }
0x38: {  	[tilespmem:s5+$0x250] =	vst v0  }
0x39: {  	[tilespmem:s5+$0x260] =	vst v0  }
0x3a: {  	[spmem:s7] =	stream.linear.scatter [tilespmem:s23], [sflag:$0x5], $0x4000, $0x38;
	[tilespmem:$0x1C200] =	vst v63  }
0x3b: {  	_ =	swait.ge [sflag:s24], $0x4000  }
0x3c: {  	[sflag:s24] =	ssyncset.done $0x0  }
0x3d: {  	[sflag:s24] =	ssyncadd.s32 $0xFFFFC000  }
0x3e: {  	[spmem:s10] =	stream.linear.scatter [tilespmem:s23], [sflag:$0x5], $0x4000, $0x38;
	[tilespmem:$0x1C200] =	vst v63  }
0x3f: {  	_ =	swait.ge [sflag:s24], $0x4000  }
0x40: {  	[sflag:s24] =	ssyncset.done $0x0  }
0x41: {  	[sflag:s24] =	ssyncadd.s32 $0xFFFFC000  }
0x42: {  	[spmem:s11] =	stream.linear.scatter [tilespmem:s23], [sflag:$0x5], $0x4000, $0x38;
	[tilespmem:$0x1C200] =	vst v63  }
0x43: {  	_ =	swait.ge [sflag:s24], $0x4000  }
0x44: {  	[sflag:s24] =	ssyncset.done $0x0  }
0x45: {  	[sflag:s24] =	ssyncadd.s32 $0xFFFFC000  }
0x46: {  	[spmem:s12] =	stream.linear.scatter [tilespmem:s23], [sflag:$0x5], $0x4000, $0x38;
	[tilespmem:$0x1C200] =	vst v63  }
0x47: {  	_ =	swait.ge [sflag:s24], $0x4000  }
0x48: {  	[sflag:s24] =	ssyncset.done $0x0  }
0x49: {  	[sflag:s24] =	ssyncadd.s32 $0xFFFFC000  }
0x4a: {  	[spmem:s13] =	stream.linear.scatter [tilespmem:s23], [sflag:$0x5], $0x4000, $0x38;
	[tilespmem:$0x1C200] =	vst v63  }
0x4b: {  	_ =	swait.ge [sflag:s24], $0x4000  }
0x4c: {  	[sflag:s24] =	ssyncset.done $0x0  }
0x4d: {  	[sflag:s24] =	ssyncadd.s32 $0xFFFFC000  }
0x4e: {  	[bflag:$0x0] =	sbarrier.arrive $0xFFFF  }
0x4f: {  	_ =	swait.ge [sflag:s25], $0x80  }
0x50: {  	[sflag:s25] =	ssyncset.done $0x0  }
0x51: {  	[sflag:s25] =	ssyncadd.s32 $0xFFFFFF80  }
0x52: {  	_ =	swait.ge [sflag:s25], $0x80  }
0x53: {  	[sflag:s25] =	ssyncset.done $0x0  }
0x54: {  	s5 =	simm.s32 $0x0;
	[sflag:s25] =	ssyncadd.s32 $0xFFFFFF80  }
0x55: {  	[tilespmem:s23], [sflag:$0x3] =	stream.indirect.gather [hbm4b:s1+s26], $0x80, s5, s26, $0xb8;
	[tilespmem:$0x1C200] =	vst v63  }
0x56: {  	_ = 	snop  }
0x57: {  	[tilespmem:s26], [sflag:$0x2] =	stream.linear.gather [hbm4b:s14+s5], $0x80, $0x38;
	[tilespmem:$0x1C200] =	vst v63  }
0x58: {  	_ = 	snop  }
0x59: {  	[tilespmem:s28], [sflag:$0x2] =	stream.linear.gather [hbm4b:s15+s5], $0x80, $0x38;
	[tilespmem:$0x1C200] =	vst v63  }
0x5a: {  	_ =	swait.ge [sflag:s29], $0x80  }
0x5b: {  	[sflag:s29] =	ssyncset.done $0x0  }
0x5c: {  	[sflag:s29] =	ssyncadd.s32 $0xFFFFFF80  }
0x5d: {  	_ =	swait.ge [sflag:s29], $0x80  }
0x5e: {  	[sflag:s29] =	ssyncset.done $0x0  }
0x5f: {  	[sflag:s29] =	ssyncadd.s32 $0xFFFFFF80  }
0x60: {  	[tilespmem:s30], [sflag:$0x4] =	stream.indirect.gather [hbm4b:s1+s26], $0x80, s26, s26, $0xb8;
	[tilespmem:$0x1C200] =	vst v63  }
0x61: {  	_ =	swait.ge [sflag:s31], $0x4000  }
0x62: {  	[sflag:s31] =	ssyncset.done $0x0  }
0x63: {  	[sflag:s31] =	ssyncadd.s32 $0xFFFFC000  }
0x64: {  	[spmem:s2] =	stream.indirect.scatter.add.f32 [tilespmem:s23], [sflag:$0x5], $0x80, s22, s26, $0xb8;
	[tilespmem:$0x1C200] =	vst v63  }
0x65: {  	_ =	swait.ge [sflag:s24], $0x4000  }
0x66: {  	[sflag:s24] =	ssyncset.done $0x0  }
0x67: {  	[sflag:s24] =	ssyncadd.s32 $0xFFFFC000  }
0x68: {  	[tilespmem:s5], [sflag:$0x1] =	stream.linear.gather [hbm4b:s16+s5], $0x80, $0x38;
	[tilespmem:$0x1C200] =	vst v63  }
0x69: {  	_ = 	snop  }
0x6a: {  	[tilespmem:s22], [sflag:$0x1] =	stream.linear.gather [hbm4b:s17+s5], $0x80, $0x38;
	[tilespmem:$0x1C200] =	vst v63  }
.LBB2_4:
0x6b: {  	_ =	swait.ge [sflag:s25], $0x80  }
0x6c: {  	[sflag:s25] =	ssyncset.done $0x0  }
0x6d: {  	[sflag:s25] =	ssyncadd.s32 $0xFFFFFF80  }
0x6e: {  	_ =	swait.ge [sflag:s25], $0x80  }
0x6f: {  	[sflag:s25] =	ssyncset.done $0x0  }
0x70: {  	[sflag:s25] =	ssyncadd.s32 $0xFFFFFF80  }
0x71: {  	[tilespmem:s23], [sflag:$0x3] =	stream.indirect.gather [hbm4b:s1+s26], $0x80, s4, s26, $0xb8;
	[tilespmem:$0x1C200] =	vst v63  }
0x72: {  	_ =	swait.ge [sflag:s0], $0x4000  }
0x73: {  	[sflag:s0] =	ssyncset.done $0x0  }
0x74: {  	[sflag:s0] =	ssyncadd.s32 $0xFFFFC000  }
0x75: {  	[spmem:s2] =	stream.indirect.scatter.add.f32 [tilespmem:s30], [sflag:$0x5], $0x80, s28, s26, $0xb8;
	[tilespmem:$0x1C200] =	vst v63  }
0x76: {  	_ =	swait.ge [sflag:s24], $0x4000  }
0x77: {  	[sflag:s24] =	ssyncset.done $0x0  }
0x78: {  	s6 =	sadd.s32 s5, s21;
	[sflag:s24] =	ssyncadd.s32 $0xFFFFC000  }
0x79: {  	[tilespmem:s26], [sflag:$0x2] =	stream.linear.gather [hbm4b:s6+s4], $0x80, $0x38;
	[tilespmem:$0x1C200] =	vst v63  }
0x7a: {  	s6 =	sadd.s32 s5, s20  }
0x7b: {  	[tilespmem:s28], [sflag:$0x2] =	stream.linear.gather [hbm4b:s6+s4], $0x80, $0x38;
	[tilespmem:$0x1C200] =	vst v63  }
0x7c: {  	_ =	swait.ge [sflag:s29], $0x80  }
0x7d: {  	[sflag:s29] =	ssyncset.done $0x0  }
0x7e: {  	[sflag:s29] =	ssyncadd.s32 $0xFFFFFF80  }
0x7f: {  	_ =	swait.ge [sflag:s29], $0x80  }
0x80: {  	[sflag:s29] =	ssyncset.done $0x0  }
0x81: {  	[sflag:s29] =	ssyncadd.s32 $0xFFFFFF80  }
0x82: {  	[tilespmem:s30], [sflag:$0x4] =	stream.indirect.gather [hbm4b:s1+s26], $0x80, s26, s26, $0xb8;
	[tilespmem:$0x1C200] =	vst v63  }
0x83: {  	_ =	swait.ge [sflag:s31], $0x4000  }
0x84: {  	p0 =	seq.s32 s5, $0x4C0;
	[sflag:s31] =	ssyncset.done $0x0  }
.Ltmp3:
0x85: {  	[sflag:s31] =	ssyncadd.s32 $0xFFFFC000;
	(pc) =	sbr.rel @p0 .LBB2_6-.Ltmp3, $4  }
0x86: {  	[spmem:s2] =	stream.indirect.scatter.add.f32 [tilespmem:s23], [sflag:$0x5], $0x80, s22, s26, $0xb8;
	[tilespmem:$0x1C200] =	vst v63  }
0x87: {  	_ =	swait.ge [sflag:s24], $0x4000  }
0x88: {  	[sflag:s24] =	ssyncset.done $0x0  }
0x89: {  	[sflag:s24] =	ssyncadd.s32 $0xFFFFC000  }
.Ltmp4:
0x8a: {  	(pc) =	sbr.rel .LBB2_4-.Ltmp4, $4  }
0x8b: {  	s6 =	sadd.s32 s5, s19  }
0x8c: {  	[tilespmem:s4], [sflag:$0x1] =	stream.linear.gather [hbm4b:s6+s4], $0x80, $0x38;
	[tilespmem:$0x1C200] =	vst v63  }
0x8d: {  	s6 =	sadd.s32 s5, s18;
	s5 =	sadd.s32 $0x20, s5  }
0x8e: {  	[tilespmem:s22], [sflag:$0x1] =	stream.linear.gather [hbm4b:s6+s4], $0x80, $0x38;
	[tilespmem:$0x1C200] =	vst v63  }
.LBB2_7:
0x8f: {  	_ =	sfence.sel $0x180000  }
0x90: {  	[bflag:$0x0] =	sbarrier.arrive $0xFFFF  }
0x91: {  	_ =	strace $0x9000004A  }
0x92: {  	s0 =	stileid.u32;
	[bflag:$0x2] =	sbarrier.arrive $0xFFFF  }
0x93: {  	p0 =	sne.s32 s0, $0x0;
	s0 =	rddreg [dreg:$0x3]  }
0x94: {  	s0 =	sadd.s32 @!p0 $0x100000, s0  }
0x95: {  	[sflag:s0] =	ssyncadd.tile.s32 @!p0 $0x1;
	_ =	shalt  }
.Lfunc_end2:
_tile_overlayer_lowered:
.L_overlay_start_2:
0x96: {  	(tag) =	ssettag $0x2  }
0x97: {  	s0 =	rddreg [dreg:$0x0];
	s2 =	stileid.u32  }
0x98: {  	s1 =	rddreg [dreg:$0x1];
	p0 =	sne.s32 s2, $0x0  }
0x99: {  	s3 =	rddreg [dreg:$0x2];
	[bflag:$0x3] =	sbarrier.arrive $0xFFFF;
	s2 =	simm.s32 @!p0 $0x1C05  }
0x9a: {  	[timem:s3], [sflag:s2] =	dma.local @!p0 [hbm:s0], s1  }
0x9b: {  	s0 =	simm.s32 @!p0 $0x5  }
0x9c: {  	_ =	swait.ge @!p0 [sflag:s0], s1  }
0x9d: {  	s1 =	ssub.s32 @!p0 $0x0, s1;
	[sflag:s0] =	ssyncset.done @!p0 $0x0  }
0x9e: {  	[sflag:s0] =	ssyncadd.s32 @!p0 s1  }
0x9f: {  	[bflag:$0x3] =	sbarrier.arrive $0xFFFF  }
0xa0: {  	_ =	shalt  }

// kernel: kernel.15.cloned.1.call-start
scs
__scs_entry_jumppad:
0x0: {  	(pc) =	sbr.rel $0x88, $3  }
0x1: {  	(tag) =	ssettag $0x0;
	lr =	simm.s32 $0x1  }
0x2: {  	[smem:$0x3F9A] =	sst lr;
	_ =	strace $0xD0000000  }
0x3: {  	_ = 	snop  }
0x4: {  	_ = 	snop  }
0x5: {  	_ = 	snop  }
0x6: {  	_ = 	snop  }
0x7: {  	_ = 	snop  }
__scs_overlays_trampoline_lowered:
0x8: {  	[smem:$0x3FA9] =	sst s0  }
0x9: {  	[smem:$0x3FAA] =	sst s1  }
0xa: {  	[smem:$0x3FAB] =	sst s2  }
0xb: {  	[smem:$0x3FAC] =	sst s3  }
0xc: {  	[smem:$0x3FAD] =	sst s4  }
0xd: {  	[smem:$0x3FAE] =	sst s5  }
0xe: {  	[smem:$0x3FAF] =	sst s6  }
0xf: {  	[smem:$0x3FB0] =	sst s7  }
0x10: {  	[smem:$0x3FB1] =	sst s8  }
0x11: {  	[smem:$0x3FB2] =	sst s9;
	s0 =	simm.s32 @!p0 $0x0  }
0x12: {  	s1 =	sld [smem:$0x3F98];
	s0 =	simm.s32 @p0 $0x1  }
0x13: {  	[smem:$0x3FB3] =	sst s0;
	s0 =	simm.s32 @!p1 $0x0  }
0x14: {  	s2 =	sld [smem:$0x3F97];
	s0 =	simm.s32 @p1 $0x1  }
0x15: {  	[smem:$0x3FB4] =	sst s0;
	s0 =	simm.s32 @!p2 $0x0  }
0x16: {  	s3 =	sld [smem:$0x3FDB];
	s0 =	simm.s32 @p2 $0x1  }
0x17: {  	s4 =	simm.s32 $0x1BF5;
	[smem:$0x3FB6] =	sst s0  }
0x18: {  	s0 =	sld [smem:$0x3F99];
	_ =	swait.ge [sflag:s4], $0x0  }
0x19: {  	s7 =	sld [smem:$0x3F9A]  }
0x1a: {  	s8 =	sadd.s32 $0xFFFFE003, lr  }
0x1b: {  	s9 =	sadd.s32 $0xFFFFFEF7, lr;
	s5 =	simm.s32 $0xFFFFFFFF;
	p2 =	slt.u32 s8, $0xFFFFF086  }
0x1c: {  	p1 =	slt.u32 s9, $0xF7A;
	s5 =	simm.s32 @!p2 $0x0  }
0x1d: {  	s5 =	simm.s32 @p1 $0x1;
	p0 =	seq.s32 s7, s2  }
0x1e: {  	s7 =	smul.u32 @!p0 $0xF7A, s2;
	p2 =	seq.s32 @!p0 s5, $0x0  }
0x1f: {  	s9 =	smul.u32 $0xF7A, s1;
	s8 =	simm.s32 @!p0 $0x1BF5;
	p2 =	por !p2, p0  }
0x20: {  	[sflag:s8] =	ssyncset.s32 @!p0 $0xFFFFF086;
	s6 =	sadd.s32 @!p0 s3, s7;
	s7 =	simm.s32 @!p0 $0x108  }
0x21: {  	s3 =	sadd.s32 s3, s9;
	s6 =	sadd.s32 @!p0 $0x88, s6;
	s7 =	simm.s32 @p2 $0x1082  }
0x22: {  	[simem:s7], [sflag:s8] =	dma.local @!p0 [hbm:s6], $0xF7A  }
0x23: {  	s9 =	sor.u32 $0xD0000000, s2;
	s6 =	simm.s32 $0x108;
	_ =	swait.ge @!p0 [sflag:s8], $0x0  }
0x24: {  	s3 =	sadd.s32 $0x88, s3;
	s6 =	simm.s32 @!p1 $0x1082;
	[sflag:s4] =	ssyncset.s32 $0xFFFFF086  }
0x25: {  	[simem:s6], [sflag:s4] =	dma.local [hbm:s3], $0xF7A  }
0x26: {  	[smem:$0x3F9A] =	sst s1;
	(tag) =	ssettag s2;
	_ =	strace s9  }
0x27: {  	s1 =	sld [smem:$0x3FAA]  }
0x28: {  	s2 =	sld [smem:$0x3FAB]  }
0x29: {  	s4 =	sld [smem:$0x3FAD]  }
0x2a: {  	p0 =	seq.s32 s5, $0x0;
	s5 =	sld [smem:$0x3FAE]  }
0x2b: {  	s6 =	sld [smem:$0x3FAF]  }
0x2c: {  	s7 =	sld [smem:$0x3FB0]  }
0x2d: {  	s3 =	simm.s32 $0x108;
	s8 =	sld [smem:$0x3FB1]  }
0x2e: {  	s3 =	simm.s32 @!p0 $0x1082;
	s9 =	sld [smem:$0x3FB2]  }
0x2f: {  	lr =	sadd.s32 s0, s3;
	s0 =	sld [smem:$0x3FA9]  }
0x30: {  	s3 =	sld [smem:$0x3FAC]  }
0x31: {  	[smem:$0x3FB5] =	sst s10  }
0x32: {  	s10 =	sld [smem:$0x3FB3];
	_ =	sdelay $0x3  }
0x33: {  	p0 =	seq.s32 s10, $0x1;
	s10 =	sld [smem:$0x3FB5];
	_ =	sdelay $0x3  }
0x34: {  	[smem:$0x3FB5] =	sst s10  }
0x35: {  	s10 =	sld [smem:$0x3FB4];
	_ =	sdelay $0x3  }
0x36: {  	p1 =	seq.s32 s10, $0x1;
	s10 =	sld [smem:$0x3FB5];
	_ =	sdelay $0x3  }
0x37: {  	[smem:$0x3FB5] =	sst s10  }
0x38: {  	s10 =	sld [smem:$0x3FB6]  }
0x39: {  	_ = 	snop;
	(pc) =	sbr.ind lr, $3  }
0x3a: {  	_ = 	snop  }
0x3b: {  	_ = 	snop  }
0x3c: {  	p2 =	seq.s32 s10, $0x1;
	s10 =	sld [smem:$0x3FB5]  }
0x3d: {  	_ =	shalt  }
0x3e: {  	_ =	shalt  }
0x3f: {  	_ =	shalt  }
0x40: {  	_ =	shalt  }
0x41: {  	_ =	shalt  }
0x42: {  	_ =	shalt  }
0x43: {  	_ =	shalt  }
0x44: {  	_ =	shalt  }
0x45: {  	_ =	shalt  }
0x46: {  	_ =	shalt  }
0x47: {  	_ =	shalt  }
0x48: {  	_ =	shalt  }
0x49: {  	_ =	shalt  }
0x4a: {  	_ =	shalt  }
0x4b: {  	_ =	shalt  }
0x4c: {  	_ =	shalt  }
0x4d: {  	_ =	shalt  }
0x4e: {  	_ =	shalt  }
0x4f: {  	_ =	shalt  }
0x50: {  	_ =	shalt  }
0x51: {  	_ =	shalt  }
0x52: {  	_ =	shalt  }
0x53: {  	_ =	shalt  }
0x54: {  	_ =	shalt  }
0x55: {  	_ =	shalt  }
0x56: {  	_ =	shalt  }
0x57: {  	_ =	shalt  }
0x58: {  	_ =	shalt  }
0x59: {  	_ =	shalt  }
0x5a: {  	_ =	shalt  }
0x5b: {  	_ =	shalt  }
0x5c: {  	_ =	shalt  }
0x5d: {  	_ =	shalt  }
0x5e: {  	_ =	shalt  }
0x5f: {  	_ =	shalt  }
0x60: {  	_ =	shalt  }
0x61: {  	_ =	shalt  }
0x62: {  	_ =	shalt  }
0x63: {  	_ =	shalt  }
0x64: {  	_ =	shalt  }
0x65: {  	_ =	shalt  }
0x66: {  	_ =	shalt  }
0x67: {  	_ =	shalt  }
0x68: {  	_ =	shalt  }
0x69: {  	_ =	shalt  }
0x6a: {  	_ =	shalt  }
0x6b: {  	_ =	shalt  }
0x6c: {  	_ =	shalt  }
0x6d: {  	_ =	shalt  }
0x6e: {  	_ =	shalt  }
0x6f: {  	_ =	shalt  }
0x70: {  	_ =	shalt  }
0x71: {  	_ =	shalt  }
0x72: {  	_ =	shalt  }
0x73: {  	_ =	shalt  }
0x74: {  	_ =	shalt  }
0x75: {  	_ =	shalt  }
0x76: {  	_ =	shalt  }
0x77: {  	_ =	shalt  }
0x78: {  	_ =	shalt  }
0x79: {  	_ =	shalt  }
0x7a: {  	_ =	shalt  }
0x7b: {  	_ =	shalt  }
0x7c: {  	_ =	shalt  }
0x7d: {  	_ =	shalt  }
0x7e: {  	_ =	shalt  }
0x7f: {  	_ =	shalt  }
0x80: {  	_ =	shalt  }
0x81: {  	_ =	shalt  }
0x82: {  	_ =	shalt  }
0x83: {  	_ =	shalt  }
0x84: {  	_ =	shalt  }
0x85: {  	_ =	shalt  }
0x86: {  	_ =	shalt  }
0x87: {  	_ =	shalt  }
.Lfunc_end0:
.L_simem_size_0:
called_computation.2_lowered:
.L_overlay_start_0:
0x88: {  	s2 =	sld [smem:$0x3FD9]  }
0x89: {  	s3 =	sld [smem:$0x3FFE];
	_ =	sdelay $0x1  }
0x8a: {  	s1 =	srdreg.scid  }
0x8b: {  	s0 =	sand.u32 $0x1, s1  }
0x8c: {  	s17 =	sshll.u32 s0, $0xA;
	s2 =	sadd.s32 s3, s2  }
0x8d: {  	s2 =	sadd.s32 s2, s17  }
0x8e: {  	[smem:$0x3FC1] =	sst s2  }
0x8f: {  	_ = 	snop  }
0x90: {  	s2 =	sld [smem:$0x3FD0];
	(tm) =	ssettm $0x1  }
0x91: {  	s18 =	sld [smem:$0x3FFB];
	_ =	sdelay $0x3  }
0x92: {  	_ =	strace s18  }
0x93: {  	s3 =	sld [smem:$0x3FFC];
	_ =	sdelay $0x3  }
0x94: {  	_ =	strace s3  }
0x95: {  	s3 =	sld [smem:$0x3FFD];
	_ =	sdelay $0x3  }
0x96: {  	_ =	strace s3  }
0x97: {  	_ =	strace $0x8FFFFFFF  }
0x98: {  	s19 =	sld [smem:$0x3FDB];
	_ =	sdelay $0x1  }
0x99: {  	s4 =	simm.s32 $_scs_section_size  }
0x9a: {  	s5 =	simm.s32 $_size__tile_overlayer_lowered;
	s6 =	simm.s32 $_tile_overlayer_lowered  }
0x9b: {  	s22 =	simm.s32 $0x1BFF;
	s21 =	sshll.u32 s6, $0x1;
	s3 =	sadd.s32 s4, s19  }
0x9c: {  	s7 =	simm.s32 $0x0;
	s20 =	sshll.u32 s5, $0x1;
	s5 =	sadd.s32 s21, s3  }
0x9d: {  	[timem:s7], [sflag:s22] =	dma.local [hbm:s5], s20  }
0x9e: {  	_ =	swait.ge [sflag:s22], s20  }
0x9f: {  	s4 =	ssub.s32 $0x0, s20;
	[sflag:s22] =	ssyncset.done $0x0  }
0xa0: {  	[sflag:s22] =	ssyncadd.s32 s4;
	_ =	sdelay $0x1  }
0xa1: {  	s23 =	simm.s32 $0x1B8B  }
0xa2: {  	_ =	swait.ge [sflag:s23], $0x1  }
0xa3: {  	[sflag:s23] =	ssyncset.done $0x0  }
0xa4: {  	s25 =	simm.s32 $0x1B8E;
	s24 =	sld [smem:$0x3FFE];
	[sflag:s23] =	ssyncadd.s32 $0xFFFFFFFF  }
0xa5: {  	s26 =	simm.s32 $execute0_lowered;
	[smem:$0x3FD2] =	sst s25  }
0xa6: {  	s5 =	sshll.u32 s26, $0x1;
	_ =	strace $0x8000004C;
	[dreg:$0x1] =	wrdreg $0xFFFFFFFF  }
0xa7: {  	s28 =	simm.s32 $_size_execute0_lowered;
	s3 =	sadd.s32 s3, s5;
	[dreg:$0x0] =	wrdreg $0x0  }
0xa8: {  	s5 =	sshll.u32 s28, $0x1;
	[dreg:$0x2] =	wrdreg s3  }
0xa9: {  	[dreg:$0x3] =	wrdreg s5  }
0xaa: {  	[dreg:$0x4] =	wrdreg $0xC0  }
0xab: {  	_ =	task [dreg:s7], $0x5FFFF  }
0xac: {  	[dreg:$0x1] =	wrdreg $0xFFFFFFFF  }
0xad: {  	[dreg:$0x0] =	wrdreg $0x60  }
0xae: {  	[dreg:$0x2] =	wrdreg s2  }
0xaf: {  	[dreg:$0x3] =	wrdreg s24  }
0xb0: {  	[dreg:$0x4] =	wrdreg $0x82000  }
0xb1: {  	[dreg:$0x5] =	wrdreg $0x9  }
0xb2: {  	_ =	task.clear_ibuf [dreg:s7], $0x6FFFF;
	_ =	strace $0x9000004C  }
0xb3: {  	s29 =	simm.s32 $0x9;
	_ =	strace $0x8000004E  }
0xb4: {  	_ =	swait.ge [sflag:s29], $0x1  }
0xb5: {  	[sflag:s29] =	ssyncadd.s32 $0xFFFFFFFF  }
0xb6: {  	_ =	strace $0x9000004E  }
0xb7: {  	_ =	sfence  }
0xb8: {  	s30 =	sld [smem:$0x0];
	_ =	sdelay $0x2  }
0xb9: {  	s31 =	sshll.u32 s1, $0xD;
	s1 =	sshrl.u32 s1, $0x2  }
0xba: {  	s3 =	sand.u32 $0x4000, s31;
	s1 =	sadd.s32 s1, s30  }
0xbb: {  	s0 =	sor.u32 s3, s0;
	s1 =	sshll.u32 s1, $0x11  }
0xbc: {  	s0 =	sor.u32 s1, s0  }
0xbd: {  	s0 =	sadd.s32 $0x8F2B, s0  }
0xbe: {  	[sflag:s0] =	ssyncadd.remote.s32 $0x1  }
0xbf: {  	_ =	sfence.sel $0xFFFF  }
0xc0: {  	[dreg:$0x0] =	wrdreg $0xFFFFFFFF;
	(pc) =	sbr.abs _section_cstart, $3  }
0xc1: {  	[dreg:$0x1] =	wrdreg $0xFFFFFFFF  }
0xc2: {  	_ =	task.clear_ibuf [dreg:s7], $0x2FFFF;
	_ =	strace $0x9FFFFFFF  }
0xc3: {  	(tm) =	ssettm $0x7FFFFFFF  }
tec
execute0_lowered:
.L_overlay_start_1:
0x0: {  	(tag) =	ssettag $0x1  }
0x1: {  	s1 =	rddreg [dreg:$0x0]  }
0x2: {  	s0 =	rddreg [dreg:$0x1]  }
0x3: {  	s2 =	rddreg [dreg:$0x2];
	s3 =	srdreg.scid  }
0x4: {  	s4 =	simm.s32 $0x0;
	s11 =	stileid.u32;
	s28 =	simm.s32 $0x180  }
0x5: {  	s29 =	simm.s32 $0x2;
	s30 =	simm.s32 $0x4200;
	s6 =	smul.u32 $0x14000, s11  }
0x6: {  	s31 =	simm.s32 $0x3;
	s3 =	sand.u32 $0x1, s3;
	s8 =	smul.u32 $0x50000, s11  }
0x7: {  	[smem:$0x7FF] =	sst s4;
	s7 =	sshll.u32 s11, $0x1;
	s24 =	smul.u32 $0x5000, s11  }
0x8: {  	s21 =	sadd.s32 $0x5CE00, s0;
	s20 =	sadd.s32 $0x2E00, s0;
	s5 =	smul.u32 $0x140000, s3  }
0x9: {  	s7 =	sor.u32 s3, s7;
	s19 =	ssub.s32 $0x2, s3;
	s3 =	smul.u32 $0x2800, s3  }
0xa: {  	_ =	strace $0x8000004D;
	s18 =	smul.u32 $0x2800, s7;
	s5 =	sadd.s32 s6, s5  }
0xb: {  	s22 =	sshrl.u32 s19, $0x1;
	s8 =	sshrl.u32 s8, $0x2;
	s5 =	sshrl.u32 s5, $0x3  }
0xc: {  	s23 =	sshrl.u32 s18, $0x3;
	s12 =	sor.u32 $0x80, s18;
	s6 =	sor.u32 $0x100, s18  }
0xd: {  	s0 =	sadd.s32 s5, s0;
	s5 =	ssub.s32 s19, s22;
	s9 =	sadd.s32 s21, s23  }
0xe: {  	s7 =	sadd.s32 s20, s23;
	s25 =	sshrl.u32 s12, $0x3;
	s26 =	sshrl.u32 s6, $0x3  }
0xf: {  	s22 =	simm.s32 $0x100;
	s23 =	simm.s32 $0x200;
	[dreg:$0x4] =	wrdreg s9  }
0x10: {  	[dreg:$0x5] =	wrdreg s7;
	s7 =	sadd.s32 s8, s2;
	s8 =	sadd.s32 $0x66E00, s0  }
0x11: {  	s9 =	smax.u32 s5, $0x1;
	s14 =	sadd.s32 s21, s25;
	s15 =	sadd.s32 s20, s25  }
0x12: {  	s0 =	sadd.s32 s3, s24;
	s16 =	sadd.s32 s21, s26;
	s17 =	sadd.s32 s20, s26  }
0x13: {  	s24 =	simm.s32 $0x5;
	s25 =	simm.s32 $0x1;
	s26 =	simm.s32 $0x80  }
.Ltmp0:
0x14: {  	s10 =	sadd.s32 $0x4000, s7;
	s11 =	sadd.s32 $0x8000, s7;
	(pc) =	sbr.rel .LBB2_1-.Ltmp0, $4  }
0x15: {  	s12 =	sadd.s32 $0xC000, s7;
	s3 =	sor.u32 $0x200, s0;
	s0 =	sor.u32 $0x180, s0  }
0x16: {  	s13 =	sadd.s32 $0x10000, s7;
	s3 =	sshrl.u32 s3, $0x3;
	s0 =	sshrl.u32 s0, $0x3  }
0x17: {  	s18 =	sadd.s32 s3, s20;
	s19 =	sadd.s32 s3, s21;
	s20 =	sadd.s32 s0, s20  }
0x18: {  	v0 =	vimm.f32 $0.0e+00;
	s21 =	sadd.s32 s0, s21;
	s0 =	simm.s32 $0x4;
	s3 =	simm.s32 $0x0  }
.LBB2_6:
0x19: {  	_ =	swait.ge [sflag:s0], $0x4000  }
0x1a: {  	[sflag:s0] =	ssyncset.done $0x0  }
0x1b: {  	[sflag:s0] =	ssyncadd.s32 $0xFFFFC000  }
0x1c: {  	[spmem:s2] =	stream.indirect.scatter.add.f32 [tilespmem:s30], [sflag:$0x5], $0x80, s28, s26, $0xb8;
	[tilespmem:$0x1C200] =	vst v63  }
0x1d: {  	s5 =	stileid.u32;
	_ =	swait.ge [sflag:s24], $0x4000  }
0x1e: {  	s6 =	sshrl.u32 s7, $0x3;
	s3 =	sadd.s32 $0x1, s3;
	[sflag:s24] =	ssyncset.done $0x0  }
0x1f: {  	s5 =	sshll.u32 s5, $0x6;
	p0 =	sne.s32 s3, s9;
	[sflag:s24] =	ssyncadd.s32 $0xFFFFC000  }
.Ltmp1:
0x20: {  	s5 =	sor.u32 $0x1C05, s5;
	[bflag:$0x0] =	sbarrier.arrive $0xFFFF;
	(pc) =	sbr.rel @!p0 .LBB2_7-.Ltmp1, $4  }
0x21: {  	[hbm:s8], [sflag:s5] =	dma.local [spmem:s6], $0x2800  }
0x22: {  	_ =	swait.ge [sflag:s24], $0x2800  }
0x23: {  	[sflag:s24] =	ssyncset.done $0x0  }
0x24: {  	[sflag:s24] =	ssyncadd.s32 $0xFFFFD800  }
.LBB2_1:
0x25: {  	s5 =	rddreg [dreg:$0x4]  }
0x26: {  	[tilespmem:s4], [sflag:$0x1] =	stream.linear.gather [hbm4b:s5+s4], $0x80, $0x38;
	[tilespmem:$0x1C200] =	vst v63  }
0x27: {  	s6 =	rddreg [dreg:$0x5]  }
0x28: {  	[tilespmem:s22], [sflag:$0x1] =	stream.linear.gather [hbm4b:s6+s4], $0x80, $0x38;
	[tilespmem:$0x1C200] =	vst v63  }
0x29: {  	s5 =	simm.s32 $0x0;
	s6 =	simm.s32 $0x200  }
.LBB2_2:
0x2a: {  	p0 =	sne.s32 s6, $0xFE00;
	[tilespmem:s5+$0x270] =	vst v0  }
0x2b: {  	[tilespmem:s5+$0x200] =	vst v0  }
0x2c: {  	[tilespmem:s5+$0x210] =	vst v0  }
.Ltmp2:
0x2d: {  	[tilespmem:s5+$0x220] =	vst v0;
	(pc) =	sbr.rel @p0 .LBB2_2-.Ltmp2, $4  }
0x2e: {  	[tilespmem:s5+$0x230] =	vst v0  }
0x2f: {  	[tilespmem:s5+$0x240] =	vst v0  }
0x30: {  	[tilespmem:s5+$0x250] =	vst v0  }
0x31: {  	[tilespmem:s5+$0x260] =	vst v0;
	s5 =	sshra.s32 s6, $0x2;
	s6 =	sadd.s32 $0x200, s6  }
0x32: {  	[tilespmem:s5+$0x270] =	vst v0  }
0x33: {  	[tilespmem:s5+$0x200] =	vst v0  }
0x34: {  	[tilespmem:s5+$0x210] =	vst v0  }
0x35: {  	[tilespmem:s5+$0x220] =	vst v0  }
0x36: {  	[tilespmem:s5+$0x230] =	vst v0  }
0x37: {  	[tilespmem:s5+$0x240] =	vst v0  }
0x38: {  	[tilespmem:s5+$0x250] =	vst v0  }
0x39: {  	[tilespmem:s5+$0x260] =	vst v0  }
0x3a: {  	[spmem:s7] =	stream.linear.scatter [tilespmem:s23], [sflag:$0x5], $0x4000, $0x38;
	[tilespmem:$0x1C200] =	vst v63  }
0x3b: {  	_ =	swait.ge [sflag:s24], $0x4000  }
0x3c: {  	[sflag:s24] =	ssyncset.done $0x0  }
0x3d: {  	[sflag:s24] =	ssyncadd.s32 $0xFFFFC000  }
0x3e: {  	[spmem:s10] =	stream.linear.scatter [tilespmem:s23], [sflag:$0x5], $0x4000, $0x38;
	[tilespmem:$0x1C200] =	vst v63  }
0x3f: {  	_ =	swait.ge [sflag:s24], $0x4000  }
0x40: {  	[sflag:s24] =	ssyncset.done $0x0  }
0x41: {  	[sflag:s24] =	ssyncadd.s32 $0xFFFFC000  }
0x42: {  	[spmem:s11] =	stream.linear.scatter [tilespmem:s23], [sflag:$0x5], $0x4000, $0x38;
	[tilespmem:$0x1C200] =	vst v63  }
0x43: {  	_ =	swait.ge [sflag:s24], $0x4000  }
0x44: {  	[sflag:s24] =	ssyncset.done $0x0  }
0x45: {  	[sflag:s24] =	ssyncadd.s32 $0xFFFFC000  }
0x46: {  	[spmem:s12] =	stream.linear.scatter [tilespmem:s23], [sflag:$0x5], $0x4000, $0x38;
	[tilespmem:$0x1C200] =	vst v63  }
0x47: {  	_ =	swait.ge [sflag:s24], $0x4000  }
0x48: {  	[sflag:s24] =	ssyncset.done $0x0  }
0x49: {  	[sflag:s24] =	ssyncadd.s32 $0xFFFFC000  }
0x4a: {  	[spmem:s13] =	stream.linear.scatter [tilespmem:s23], [sflag:$0x5], $0x4000, $0x38;
	[tilespmem:$0x1C200] =	vst v63  }
0x4b: {  	_ =	swait.ge [sflag:s24], $0x4000  }
0x4c: {  	[sflag:s24] =	ssyncset.done $0x0  }
0x4d: {  	[sflag:s24] =	ssyncadd.s32 $0xFFFFC000  }
0x4e: {  	[bflag:$0x0] =	sbarrier.arrive $0xFFFF  }
0x4f: {  	_ =	swait.ge [sflag:s25], $0x80  }
0x50: {  	[sflag:s25] =	ssyncset.done $0x0  }
0x51: {  	[sflag:s25] =	ssyncadd.s32 $0xFFFFFF80  }
0x52: {  	_ =	swait.ge [sflag:s25], $0x80  }
0x53: {  	[sflag:s25] =	ssyncset.done $0x0  }
0x54: {  	s5 =	simm.s32 $0x0;
	[sflag:s25] =	ssyncadd.s32 $0xFFFFFF80  }
0x55: {  	[tilespmem:s23], [sflag:$0x3] =	stream.indirect.gather [hbm4b:s1+s26], $0x80, s5, s26, $0xb8;
	[tilespmem:$0x1C200] =	vst v63  }
0x56: {  	_ = 	snop  }
0x57: {  	[tilespmem:s26], [sflag:$0x2] =	stream.linear.gather [hbm4b:s14+s5], $0x80, $0x38;
	[tilespmem:$0x1C200] =	vst v63  }
0x58: {  	_ = 	snop  }
0x59: {  	[tilespmem:s28], [sflag:$0x2] =	stream.linear.gather [hbm4b:s15+s5], $0x80, $0x38;
	[tilespmem:$0x1C200] =	vst v63  }
0x5a: {  	_ =	swait.ge [sflag:s29], $0x80  }
0x5b: {  	[sflag:s29] =	ssyncset.done $0x0  }
0x5c: {  	[sflag:s29] =	ssyncadd.s32 $0xFFFFFF80  }
0x5d: {  	_ =	swait.ge [sflag:s29], $0x80  }
0x5e: {  	[sflag:s29] =	ssyncset.done $0x0  }
0x5f: {  	[sflag:s29] =	ssyncadd.s32 $0xFFFFFF80  }
0x60: {  	[tilespmem:s30], [sflag:$0x4] =	stream.indirect.gather [hbm4b:s1+s26], $0x80, s26, s26, $0xb8;
	[tilespmem:$0x1C200] =	vst v63  }
0x61: {  	_ =	swait.ge [sflag:s31], $0x4000  }
0x62: {  	[sflag:s31] =	ssyncset.done $0x0  }
0x63: {  	[sflag:s31] =	ssyncadd.s32 $0xFFFFC000  }
0x64: {  	[spmem:s2] =	stream.indirect.scatter.add.f32 [tilespmem:s23], [sflag:$0x5], $0x80, s22, s26, $0xb8;
	[tilespmem:$0x1C200] =	vst v63  }
0x65: {  	_ =	swait.ge [sflag:s24], $0x4000  }
0x66: {  	[sflag:s24] =	ssyncset.done $0x0  }
0x67: {  	[sflag:s24] =	ssyncadd.s32 $0xFFFFC000  }
0x68: {  	[tilespmem:s5], [sflag:$0x1] =	stream.linear.gather [hbm4b:s16+s5], $0x80, $0x38;
	[tilespmem:$0x1C200] =	vst v63  }
0x69: {  	_ = 	snop  }
0x6a: {  	[tilespmem:s22], [sflag:$0x1] =	stream.linear.gather [hbm4b:s17+s5], $0x80, $0x38;
	[tilespmem:$0x1C200] =	vst v63  }
.LBB2_4:
0x6b: {  	_ =	swait.ge [sflag:s25], $0x80  }
0x6c: {  	[sflag:s25] =	ssyncset.done $0x0  }
0x6d: {  	[sflag:s25] =	ssyncadd.s32 $0xFFFFFF80  }
0x6e: {  	_ =	swait.ge [sflag:s25], $0x80  }
0x6f: {  	[sflag:s25] =	ssyncset.done $0x0  }
0x70: {  	[sflag:s25] =	ssyncadd.s32 $0xFFFFFF80  }
0x71: {  	[tilespmem:s23], [sflag:$0x3] =	stream.indirect.gather [hbm4b:s1+s26], $0x80, s4, s26, $0xb8;
	[tilespmem:$0x1C200] =	vst v63  }
0x72: {  	_ =	swait.ge [sflag:s0], $0x4000  }
0x73: {  	[sflag:s0] =	ssyncset.done $0x0  }
0x74: {  	[sflag:s0] =	ssyncadd.s32 $0xFFFFC000  }
0x75: {  	[spmem:s2] =	stream.indirect.scatter.add.f32 [tilespmem:s30], [sflag:$0x5], $0x80, s28, s26, $0xb8;
	[tilespmem:$0x1C200] =	vst v63  }
0x76: {  	_ =	swait.ge [sflag:s24], $0x4000  }
0x77: {  	[sflag:s24] =	ssyncset.done $0x0  }
0x78: {  	s6 =	sadd.s32 s5, s21;
	[sflag:s24] =	ssyncadd.s32 $0xFFFFC000  }
0x79: {  	[tilespmem:s26], [sflag:$0x2] =	stream.linear.gather [hbm4b:s6+s4], $0x80, $0x38;
	[tilespmem:$0x1C200] =	vst v63  }
0x7a: {  	s6 =	sadd.s32 s5, s20  }
0x7b: {  	[tilespmem:s28], [sflag:$0x2] =	stream.linear.gather [hbm4b:s6+s4], $0x80, $0x38;
	[tilespmem:$0x1C200] =	vst v63  }
0x7c: {  	_ =	swait.ge [sflag:s29], $0x80  }
0x7d: {  	[sflag:s29] =	ssyncset.done $0x0  }
0x7e: {  	[sflag:s29] =	ssyncadd.s32 $0xFFFFFF80  }
0x7f: {  	_ =	swait.ge [sflag:s29], $0x80  }
0x80: {  	[sflag:s29] =	ssyncset.done $0x0  }
0x81: {  	[sflag:s29] =	ssyncadd.s32 $0xFFFFFF80  }
0x82: {  	[tilespmem:s30], [sflag:$0x4] =	stream.indirect.gather [hbm4b:s1+s26], $0x80, s26, s26, $0xb8;
	[tilespmem:$0x1C200] =	vst v63  }
0x83: {  	_ =	swait.ge [sflag:s31], $0x4000  }
0x84: {  	p0 =	seq.s32 s5, $0x4C0;
	[sflag:s31] =	ssyncset.done $0x0  }
.Ltmp3:
0x85: {  	[sflag:s31] =	ssyncadd.s32 $0xFFFFC000;
	(pc) =	sbr.rel @p0 .LBB2_6-.Ltmp3, $4  }
0x86: {  	[spmem:s2] =	stream.indirect.scatter.add.f32 [tilespmem:s23], [sflag:$0x5], $0x80, s22, s26, $0xb8;
	[tilespmem:$0x1C200] =	vst v63  }
0x87: {  	_ =	swait.ge [sflag:s24], $0x4000  }
0x88: {  	[sflag:s24] =	ssyncset.done $0x0  }
0x89: {  	[sflag:s24] =	ssyncadd.s32 $0xFFFFC000  }
.Ltmp4:
0x8a: {  	(pc) =	sbr.rel .LBB2_4-.Ltmp4, $4  }
0x8b: {  	s6 =	sadd.s32 s5, s19  }
0x8c: {  	[tilespmem:s4], [sflag:$0x1] =	stream.linear.gather [hbm4b:s6+s4], $0x80, $0x38;
	[tilespmem:$0x1C200] =	vst v63  }
0x8d: {  	s6 =	sadd.s32 s5, s18;
	s5 =	sadd.s32 $0x20, s5  }
0x8e: {  	[tilespmem:s22], [sflag:$0x1] =	stream.linear.gather [hbm4b:s6+s4], $0x80, $0x38;
	[tilespmem:$0x1C200] =	vst v63  }
.LBB2_7:
0x8f: {  	_ =	sfence.sel $0x180000  }
0x90: {  	[bflag:$0x0] =	sbarrier.arrive $0xFFFF  }
0x91: {  	_ =	strace $0x9000004D  }
0x92: {  	s0 =	stileid.u32;
	[bflag:$0x2] =	sbarrier.arrive $0xFFFF  }
0x93: {  	p0 =	sne.s32 s0, $0x0;
	s0 =	rddreg [dreg:$0x3]  }
0x94: {  	s0 =	sadd.s32 @!p0 $0x100000, s0  }
0x95: {  	[sflag:s0] =	ssyncadd.tile.s32 @!p0 $0x1;
	_ =	shalt  }
.Lfunc_end2:
_tile_overlayer_lowered:
.L_overlay_start_2:
0x96: {  	(tag) =	ssettag $0x2  }
0x97: {  	s0 =	rddreg [dreg:$0x0];
	s2 =	stileid.u32  }
0x98: {  	s1 =	rddreg [dreg:$0x1];
	p0 =	sne.s32 s2, $0x0  }
0x99: {  	s3 =	rddreg [dreg:$0x2];
	[bflag:$0x3] =	sbarrier.arrive $0xFFFF;
	s2 =	simm.s32 @!p0 $0x1C05  }
0x9a: {  	[timem:s3], [sflag:s2] =	dma.local @!p0 [hbm:s0], s1  }
0x9b: {  	s0 =	simm.s32 @!p0 $0x5  }
0x9c: {  	_ =	swait.ge @!p0 [sflag:s0], s1  }
0x9d: {  	s1 =	ssub.s32 @!p0 $0x0, s1;
	[sflag:s0] =	ssyncset.done @!p0 $0x0  }
0x9e: {  	[sflag:s0] =	ssyncadd.s32 @!p0 s1  }
0x9f: {  	[bflag:$0x3] =	sbarrier.arrive $0xFFFF  }
0xa0: {  	_ =	shalt  }

// kernel: kernel.9.cloned.1.call-start
scs
__scs_entry_jumppad:
0x0: {  	(pc) =	sbr.rel $0x88, $3  }
0x1: {  	(tag) =	ssettag $0x0;
	lr =	simm.s32 $0x1  }
0x2: {  	[smem:$0x3F9A] =	sst lr;
	_ =	strace $0xD0000000  }
0x3: {  	_ = 	snop  }
0x4: {  	_ = 	snop  }
0x5: {  	_ = 	snop  }
0x6: {  	_ = 	snop  }
0x7: {  	_ = 	snop  }
__scs_overlays_trampoline_lowered:
0x8: {  	[smem:$0x3FA9] =	sst s0  }
0x9: {  	[smem:$0x3FAA] =	sst s1  }
0xa: {  	[smem:$0x3FAB] =	sst s2  }
0xb: {  	[smem:$0x3FAC] =	sst s3  }
0xc: {  	[smem:$0x3FAD] =	sst s4  }
0xd: {  	[smem:$0x3FAE] =	sst s5  }
0xe: {  	[smem:$0x3FAF] =	sst s6  }
0xf: {  	[smem:$0x3FB0] =	sst s7  }
0x10: {  	[smem:$0x3FB1] =	sst s8  }
0x11: {  	[smem:$0x3FB2] =	sst s9;
	s0 =	simm.s32 @!p0 $0x0  }
0x12: {  	s1 =	sld [smem:$0x3F98];
	s0 =	simm.s32 @p0 $0x1  }
0x13: {  	[smem:$0x3FB3] =	sst s0;
	s0 =	simm.s32 @!p1 $0x0  }
0x14: {  	s2 =	sld [smem:$0x3F97];
	s0 =	simm.s32 @p1 $0x1  }
0x15: {  	[smem:$0x3FB4] =	sst s0;
	s0 =	simm.s32 @!p2 $0x0  }
0x16: {  	s3 =	sld [smem:$0x3FDB];
	s0 =	simm.s32 @p2 $0x1  }
0x17: {  	s4 =	simm.s32 $0x1BF5;
	[smem:$0x3FB6] =	sst s0  }
0x18: {  	s0 =	sld [smem:$0x3F99];
	_ =	swait.ge [sflag:s4], $0x0  }
0x19: {  	s7 =	sld [smem:$0x3F9A]  }
0x1a: {  	s8 =	sadd.s32 $0xFFFFE003, lr  }
0x1b: {  	s9 =	sadd.s32 $0xFFFFFEF7, lr;
	s5 =	simm.s32 $0xFFFFFFFF;
	p2 =	slt.u32 s8, $0xFFFFF086  }
0x1c: {  	p1 =	slt.u32 s9, $0xF7A;
	s5 =	simm.s32 @!p2 $0x0  }
0x1d: {  	s5 =	simm.s32 @p1 $0x1;
	p0 =	seq.s32 s7, s2  }
0x1e: {  	s7 =	smul.u32 @!p0 $0xF7A, s2;
	p2 =	seq.s32 @!p0 s5, $0x0  }
0x1f: {  	s9 =	smul.u32 $0xF7A, s1;
	s8 =	simm.s32 @!p0 $0x1BF5;
	p2 =	por !p2, p0  }
0x20: {  	[sflag:s8] =	ssyncset.s32 @!p0 $0xFFFFF086;
	s6 =	sadd.s32 @!p0 s3, s7;
	s7 =	simm.s32 @!p0 $0x108  }
0x21: {  	s3 =	sadd.s32 s3, s9;
	s6 =	sadd.s32 @!p0 $0x88, s6;
	s7 =	simm.s32 @p2 $0x1082  }
0x22: {  	[simem:s7], [sflag:s8] =	dma.local @!p0 [hbm:s6], $0xF7A  }
0x23: {  	s9 =	sor.u32 $0xD0000000, s2;
	s6 =	simm.s32 $0x108;
	_ =	swait.ge @!p0 [sflag:s8], $0x0  }
0x24: {  	s3 =	sadd.s32 $0x88, s3;
	s6 =	simm.s32 @!p1 $0x1082;
	[sflag:s4] =	ssyncset.s32 $0xFFFFF086  }
0x25: {  	[simem:s6], [sflag:s4] =	dma.local [hbm:s3], $0xF7A  }
0x26: {  	[smem:$0x3F9A] =	sst s1;
	(tag) =	ssettag s2;
	_ =	strace s9  }
0x27: {  	s1 =	sld [smem:$0x3FAA]  }
0x28: {  	s2 =	sld [smem:$0x3FAB]  }
0x29: {  	s4 =	sld [smem:$0x3FAD]  }
0x2a: {  	p0 =	seq.s32 s5, $0x0;
	s5 =	sld [smem:$0x3FAE]  }
0x2b: {  	s6 =	sld [smem:$0x3FAF]  }
0x2c: {  	s7 =	sld [smem:$0x3FB0]  }
0x2d: {  	s3 =	simm.s32 $0x108;
	s8 =	sld [smem:$0x3FB1]  }
0x2e: {  	s3 =	simm.s32 @!p0 $0x1082;
	s9 =	sld [smem:$0x3FB2]  }
0x2f: {  	lr =	sadd.s32 s0, s3;
	s0 =	sld [smem:$0x3FA9]  }
0x30: {  	s3 =	sld [smem:$0x3FAC]  }
0x31: {  	[smem:$0x3FB5] =	sst s10  }
0x32: {  	s10 =	sld [smem:$0x3FB3];
	_ =	sdelay $0x3  }
0x33: {  	p0 =	seq.s32 s10, $0x1;
	s10 =	sld [smem:$0x3FB5];
	_ =	sdelay $0x3  }
0x34: {  	[smem:$0x3FB5] =	sst s10  }
0x35: {  	s10 =	sld [smem:$0x3FB4];
	_ =	sdelay $0x3  }
0x36: {  	p1 =	seq.s32 s10, $0x1;
	s10 =	sld [smem:$0x3FB5];
	_ =	sdelay $0x3  }
0x37: {  	[smem:$0x3FB5] =	sst s10  }
0x38: {  	s10 =	sld [smem:$0x3FB6]  }
0x39: {  	_ = 	snop;
	(pc) =	sbr.ind lr, $3  }
0x3a: {  	_ = 	snop  }
0x3b: {  	_ = 	snop  }
0x3c: {  	p2 =	seq.s32 s10, $0x1;
	s10 =	sld [smem:$0x3FB5]  }
0x3d: {  	_ =	shalt  }
0x3e: {  	_ =	shalt  }
0x3f: {  	_ =	shalt  }
0x40: {  	_ =	shalt  }
0x41: {  	_ =	shalt  }
0x42: {  	_ =	shalt  }
0x43: {  	_ =	shalt  }
0x44: {  	_ =	shalt  }
0x45: {  	_ =	shalt  }
0x46: {  	_ =	shalt  }
0x47: {  	_ =	shalt  }
0x48: {  	_ =	shalt  }
0x49: {  	_ =	shalt  }
0x4a: {  	_ =	shalt  }
0x4b: {  	_ =	shalt  }
0x4c: {  	_ =	shalt  }
0x4d: {  	_ =	shalt  }
0x4e: {  	_ =	shalt  }
0x4f: {  	_ =	shalt  }
0x50: {  	_ =	shalt  }
0x51: {  	_ =	shalt  }
0x52: {  	_ =	shalt  }
0x53: {  	_ =	shalt  }
0x54: {  	_ =	shalt  }
0x55: {  	_ =	shalt  }
0x56: {  	_ =	shalt  }
0x57: {  	_ =	shalt  }
0x58: {  	_ =	shalt  }
0x59: {  	_ =	shalt  }
0x5a: {  	_ =	shalt  }
0x5b: {  	_ =	shalt  }
0x5c: {  	_ =	shalt  }
0x5d: {  	_ =	shalt  }
0x5e: {  	_ =	shalt  }
0x5f: {  	_ =	shalt  }
0x60: {  	_ =	shalt  }
0x61: {  	_ =	shalt  }
0x62: {  	_ =	shalt  }
0x63: {  	_ =	shalt  }
0x64: {  	_ =	shalt  }
0x65: {  	_ =	shalt  }
0x66: {  	_ =	shalt  }
0x67: {  	_ =	shalt  }
0x68: {  	_ =	shalt  }
0x69: {  	_ =	shalt  }
0x6a: {  	_ =	shalt  }
0x6b: {  	_ =	shalt  }
0x6c: {  	_ =	shalt  }
0x6d: {  	_ =	shalt  }
0x6e: {  	_ =	shalt  }
0x6f: {  	_ =	shalt  }
0x70: {  	_ =	shalt  }
0x71: {  	_ =	shalt  }
0x72: {  	_ =	shalt  }
0x73: {  	_ =	shalt  }
0x74: {  	_ =	shalt  }
0x75: {  	_ =	shalt  }
0x76: {  	_ =	shalt  }
0x77: {  	_ =	shalt  }
0x78: {  	_ =	shalt  }
0x79: {  	_ =	shalt  }
0x7a: {  	_ =	shalt  }
0x7b: {  	_ =	shalt  }
0x7c: {  	_ =	shalt  }
0x7d: {  	_ =	shalt  }
0x7e: {  	_ =	shalt  }
0x7f: {  	_ =	shalt  }
0x80: {  	_ =	shalt  }
0x81: {  	_ =	shalt  }
0x82: {  	_ =	shalt  }
0x83: {  	_ =	shalt  }
0x84: {  	_ =	shalt  }
0x85: {  	_ =	shalt  }
0x86: {  	_ =	shalt  }
0x87: {  	_ =	shalt  }
.Lfunc_end0:
.L_simem_size_0:
called_computation_lowered:
.L_overlay_start_0:
0x88: {  	s2 =	sld [smem:$0x3FD9]  }
0x89: {  	s3 =	sld [smem:$0x3FFE];
	_ =	sdelay $0x1  }
0x8a: {  	s1 =	srdreg.scid  }
0x8b: {  	s0 =	sand.u32 $0x1, s1  }
0x8c: {  	s16 =	sshll.u32 s0, $0xA;
	s2 =	sadd.s32 s3, s2  }
0x8d: {  	s2 =	sadd.s32 s2, s16  }
0x8e: {  	[smem:$0x3FC1] =	sst s2  }
0x8f: {  	_ = 	snop  }
0x90: {  	(tm) =	ssettm $0x1  }
0x91: {  	s17 =	sld [smem:$0x3FFB];
	_ =	sdelay $0x3  }
0x92: {  	_ =	strace s17  }
0x93: {  	s2 =	sld [smem:$0x3FFC];
	_ =	sdelay $0x3  }
0x94: {  	_ =	strace s2  }
0x95: {  	s2 =	sld [smem:$0x3FFD];
	_ =	sdelay $0x3  }
0x96: {  	_ =	strace s2  }
0x97: {  	_ =	strace $0x8FFFFFFF  }
0x98: {  	s18 =	sld [smem:$0x3FDB];
	_ =	sdelay $0x1  }
0x99: {  	s19 =	simm.s32 $_scs_section_size  }
0x9a: {  	s4 =	simm.s32 $_size__tile_overlayer_lowered;
	s5 =	simm.s32 $_tile_overlayer_lowered  }
0x9b: {  	s22 =	simm.s32 $0x1BFF;
	s21 =	sshll.u32 s5, $0x1;
	s2 =	sadd.s32 s19, s18  }
0x9c: {  	s6 =	simm.s32 $0x0;
	s20 =	sshll.u32 s4, $0x1;
	s4 =	sadd.s32 s21, s2  }
0x9d: {  	[timem:s6], [sflag:s22] =	dma.local [hbm:s4], s20  }
0x9e: {  	_ =	swait.ge [sflag:s22], s20  }
0x9f: {  	s3 =	ssub.s32 $0x0, s20;
	[sflag:s22] =	ssyncset.done $0x0  }
0xa0: {  	[sflag:s22] =	ssyncadd.s32 s3;
	_ =	sdelay $0x1  }
0xa1: {  	s23 =	simm.s32 $0x1B8B  }
0xa2: {  	_ =	swait.ge [sflag:s23], $0x1  }
0xa3: {  	[sflag:s23] =	ssyncset.done $0x0  }
0xa4: {  	s25 =	simm.s32 $0x1B8E;
	s24 =	sld [smem:$0x3FFE];
	[sflag:s23] =	ssyncadd.s32 $0xFFFFFFFF  }
0xa5: {  	s26 =	simm.s32 $execute0_lowered;
	[smem:$0x3FD2] =	sst s25  }
0xa6: {  	s4 =	sshll.u32 s26, $0x1;
	_ =	strace $0x80000046;
	[dreg:$0x1] =	wrdreg $0xFFFFFFFF  }
0xa7: {  	s28 =	simm.s32 $_size_execute0_lowered;
	s2 =	sadd.s32 s2, s4;
	[dreg:$0x0] =	wrdreg $0x0  }
0xa8: {  	s4 =	sshll.u32 s28, $0x1;
	[dreg:$0x2] =	wrdreg s2  }
0xa9: {  	[dreg:$0x3] =	wrdreg s4  }
0xaa: {  	[dreg:$0x4] =	wrdreg $0xC0  }
0xab: {  	_ =	task [dreg:s6], $0x5FFFF  }
0xac: {  	[dreg:$0x1] =	wrdreg $0xFFFFFFFF  }
0xad: {  	[dreg:$0x0] =	wrdreg $0x60  }
0xae: {  	[dreg:$0x2] =	wrdreg s24  }
0xaf: {  	[dreg:$0x3] =	wrdreg $0x41000  }
0xb0: {  	[dreg:$0x4] =	wrdreg $0x9  }
0xb1: {  	_ =	task.clear_ibuf [dreg:s6], $0x5FFFF;
	_ =	strace $0x90000046  }
0xb2: {  	s29 =	simm.s32 $0x9;
	_ =	strace $0x80000048  }
0xb3: {  	_ =	swait.ge [sflag:s29], $0x1  }
0xb4: {  	[sflag:s29] =	ssyncadd.s32 $0xFFFFFFFF  }
0xb5: {  	_ =	strace $0x90000048  }
0xb6: {  	_ =	sfence  }
0xb7: {  	s30 =	sld [smem:$0x0];
	_ =	sdelay $0x2  }
0xb8: {  	s31 =	sshll.u32 s1, $0xD;
	s1 =	sshrl.u32 s1, $0x2  }
0xb9: {  	s3 =	sand.u32 $0x4000, s31;
	s1 =	sadd.s32 s1, s30  }
0xba: {  	s0 =	sor.u32 s3, s0;
	s1 =	sshll.u32 s1, $0x11  }
0xbb: {  	s0 =	sor.u32 s1, s0  }
0xbc: {  	s0 =	sadd.s32 $0x8F2B, s0  }
0xbd: {  	[sflag:s0] =	ssyncadd.remote.s32 $0x1  }
0xbe: {  	_ =	sfence.sel $0xFFFF  }
0xbf: {  	[dreg:$0x0] =	wrdreg $0xFFFFFFFF;
	(pc) =	sbr.abs _section_cstart, $3  }
0xc0: {  	[dreg:$0x1] =	wrdreg $0xFFFFFFFF  }
0xc1: {  	_ =	task.clear_ibuf [dreg:s6], $0x2FFFF;
	_ =	strace $0x9FFFFFFF  }
0xc2: {  	(tm) =	ssettm $0x7FFFFFFF  }
0xc3: {  	_ =	shalt  }
tec
execute0_lowered:
.L_overlay_start_1:
0x0: {  	(tag) =	ssettag $0x1  }
0x1: {  	s4 =	rddreg [dreg:$0x0]  }
0x2: {  	s2 =	rddreg [dreg:$0x1];
	s3 =	srdreg.scid  }
0x3: {  	s0 =	rddreg [dreg:$0x2];
	s1 =	stileid.u32  }
0x4: {  	s15 =	simm.s32 $0x2;
	s16 =	simm.s32 $0x0;
	s8 =	smul.u32 $0x14000, s1  }
0x5: {  	s5 =	sand.u32 $0x1, s3;
	s3 =	simm.s32 $0x0;
	s26 =	smul.u32 $0x50000, s1  }
0x6: {  	s7 =	sshll.u32 s1, $0x1;
	s10 =	sadd.s32 $0x2E00, s4;
	s11 =	smul.u32 $0x5000, s1  }
0x7: {  	s6 =	smul.u32 $0x140000, s5;
	[smem:$0x7FF] =	sst s3;
	s7 =	sor.u32 s5, s7  }
0x8: {  	s9 =	ssub.s32 $0x2, s5;
	s13 =	smul.u32 $0x2800, s5;
	_ =	strace $0x80000047  }
0x9: {  	s7 =	smul.u32 $0x2800, s7;
	s12 =	sshrl.u32 s9, $0x1;
	s28 =	sshrl.u32 s26, $0x2  }
0xa: {  	s6 =	sadd.s32 s8, s6;
	s9 =	ssub.s32 s9, s12;
	s29 =	sadd.s32 s13, s11  }
0xb: {  	s12 =	simm.s32 $0x100;
	s13 =	simm.s32 $0x3;
	s6 =	sshrl.u32 s6, $0x3  }
0xc: {  	s7 =	sshrl.u32 s7, $0x3;
	s30 =	sor.u32 $0x180, s29;
	s11 =	sor.u32 $0x100, s29  }
0xd: {  	s8 =	smax.u32 s9, $0x1;
	s14 =	sadd.s32 s6, s4;
	s4 =	sadd.s32 s10, s7  }
0xe: {  	s6 =	sadd.s32 s28, s2;
	s31 =	sshrl.u32 s30, $0x3;
	s11 =	sshrl.u32 s11, $0x3  }
0xf: {  	s5 =	sadd.s32 $0x10, s4;
	s7 =	sadd.s32 $0xCE00, s14;
	s9 =	sadd.s32 s31, s10  }
0x10: {  	v0 =	vimm.f32 $0.0e+00;
	v1 =	vimm.f32 $1.000000000e+00;
	s10 =	sadd.s32 s11, s10;
	s11 =	simm.s32 $0x80;
	s14 =	simm.s32 $0x1  }
.LBB2_1:
0x11: {  	[tilespmem:s3], [sflag:$0x1] =	stream.linear.gather [hbm4b:s4+s3], $0x80, $0x38;
	[tilespmem:$0x18100] =	vst v63  }
0x12: {  	s17 =	simm.s32 $0x0;
	s18 =	simm.s32 $0x200  }
0x13: {  	[tilespmem:s11], [sflag:$0x2] =	stream.linear.gather [hbm4b:s5+s3], $0x80, $0x38;
	[tilespmem:$0x18100] =	vst v63  }
.LBB2_2:
0x14: {  	p0 =	sne.s32 s18, $0x1E00;
	[tilespmem:s17+$0x170] =	vst v0  }
0x15: {  	[tilespmem:s17+$0x100] =	vst v0  }
0x16: {  	[tilespmem:s17+$0x110] =	vst v0  }
.Ltmp0:
0x17: {  	[tilespmem:s17+$0x120] =	vst v0;
	(pc) =	sbr.rel @p0 .LBB2_2-.Ltmp0, $4  }
0x18: {  	[tilespmem:s17+$0x130] =	vst v0  }
0x19: {  	[tilespmem:s17+$0x140] =	vst v0  }
0x1a: {  	[tilespmem:s17+$0x150] =	vst v0  }
0x1b: {  	[tilespmem:s17+$0x160] =	vst v0;
	s17 =	sshra.s32 s18, $0x2;
	s18 =	sadd.s32 $0x200, s18  }
0x1c: {  	[tilespmem:s17+$0x170] =	vst v0  }
0x1d: {  	[tilespmem:s17+$0x100] =	vst v0  }
0x1e: {  	[tilespmem:s17+$0x110] =	vst v0  }
0x1f: {  	[tilespmem:s17+$0x120] =	vst v0  }
0x20: {  	[tilespmem:s17+$0x130] =	vst v0  }
0x21: {  	[tilespmem:s17+$0x140] =	vst v0  }
0x22: {  	[tilespmem:s17+$0x150] =	vst v0  }
0x23: {  	[tilespmem:s17+$0x160] =	vst v0;
	s31 =	sadd.s32 $0x0, s6  }
0x24: {  	[spmem:s31] =	stream.linear.scatter [tilespmem:s12], [sflag:$0x3], $0x800, $0x38;
	[tilespmem:$0x18100] =	vst v63  }
0x25: {  	s17 =	simm.s32 $0x0;
	s18 =	simm.s32 $0x2000;
	_ =	swait.ge [sflag:s13], $0x800  }
.LBB2_4:
0x26: {  	s19 =	sshra.s32 s18, $0x2;
	[sflag:s13] =	ssyncset.done $0x0;
	p0 =	sne.s32 s18, $0x4E000  }
.Ltmp1:
0x27: {  	s19 =	sadd.s32 s19, s6;
	[sflag:s13] =	ssyncadd.s32 $0xFFFFF800;
	(pc) =	sbr.rel @p0 .LBB2_4-.Ltmp1, $3  }
0x28: {  	[spmem:s19] =	stream.linear.scatter [tilespmem:s12], [sflag:$0x3], $0x800, $0x38;
	[tilespmem:$0x18100] =	vst v63  }
0x29: {  	s18 =	sadd.s32 $0x2000, s18;
	_ =	sdelay $0x1  }
0x2a: {  	_ =	swait.ge [sflag:s13], $0x800  }
0x2b: {  	[sflag:s13] =	ssyncset.done $0x0  }
0x2c: {  	s18 =	simm.s32 $0x200;
	[sflag:s13] =	ssyncadd.s32 $0xFFFFF800  }
.LBB2_6:
0x2d: {  	p0 =	sne.s32 s18, $0xFE00;
	[tilespmem:s17+$0x170] =	vst v1  }
0x2e: {  	[tilespmem:s17+$0x100] =	vst v1  }
0x2f: {  	[tilespmem:s17+$0x110] =	vst v1  }
.Ltmp2:
0x30: {  	[tilespmem:s17+$0x120] =	vst v1;
	(pc) =	sbr.rel @p0 .LBB2_6-.Ltmp2, $4  }
0x31: {  	[tilespmem:s17+$0x130] =	vst v1  }
0x32: {  	[tilespmem:s17+$0x140] =	vst v1  }
0x33: {  	[tilespmem:s17+$0x150] =	vst v1  }
0x34: {  	[tilespmem:s17+$0x160] =	vst v1;
	s17 =	sshra.s32 s18, $0x2;
	s18 =	sadd.s32 $0x200, s18  }
0x35: {  	[tilespmem:s17+$0x170] =	vst v1  }
0x36: {  	[tilespmem:s17+$0x100] =	vst v1  }
0x37: {  	[tilespmem:s17+$0x110] =	vst v1  }
0x38: {  	[tilespmem:s17+$0x120] =	vst v1  }
0x39: {  	[tilespmem:s17+$0x130] =	vst v1  }
0x3a: {  	[tilespmem:s17+$0x140] =	vst v1  }
0x3b: {  	[tilespmem:s17+$0x150] =	vst v1  }
0x3c: {  	[tilespmem:s17+$0x160] =	vst v1  }
0x3d: {  	[bflag:$0x0] =	sbarrier.arrive $0xFFFF  }
0x3e: {  	_ =	swait.ge [sflag:s14], $0x80  }
0x3f: {  	[sflag:s14] =	ssyncset.done $0x0  }
0x40: {  	[sflag:s14] =	ssyncadd.s32 $0xFFFFFF80  }
0x41: {  	[spmem:s2] =	stream.indirect.scatter.add.f32 [tilespmem:s12], [sflag:$0x3], $0x80, s3, s11, $0xb8;
	[tilespmem:$0x18100] =	vst v63  }
0x42: {  	_ =	swait.ge [sflag:s13], $0x4000  }
0x43: {  	[sflag:s13] =	ssyncset.done $0x0  }
0x44: {  	s31 =	sadd.s32 $0x0, s10;
	[sflag:s13] =	ssyncadd.s32 $0xFFFFC000  }
0x45: {  	[tilespmem:s3], [sflag:$0x1] =	stream.linear.gather [hbm4b:s31+s3], $0x80, $0x38;
	[tilespmem:$0x18100] =	vst v63  }
0x46: {  	_ =	swait.ge [sflag:s15], $0x80  }
0x47: {  	[sflag:s15] =	ssyncset.done $0x0  }
0x48: {  	[sflag:s15] =	ssyncadd.s32 $0xFFFFFF80  }
0x49: {  	[spmem:s2] =	stream.indirect.scatter.add.f32 [tilespmem:s12], [sflag:$0x3], $0x80, s11, s11, $0xb8;
	[tilespmem:$0x18100] =	vst v63  }
0x4a: {  	_ =	swait.ge [sflag:s13], $0x4000  }
0x4b: {  	[sflag:s13] =	ssyncset.done $0x0  }
0x4c: {  	s17 =	simm.s32 $0x20;
	s18 =	sadd.s32 $0x0, s9;
	[sflag:s13] =	ssyncadd.s32 $0xFFFFC000  }
.LBB2_8:
0x4d: {  	[tilespmem:s11], [sflag:$0x2] =	stream.linear.gather [hbm4b:s18+s3], $0x80, $0x38;
	[tilespmem:$0x18100] =	vst v63  }
0x4e: {  	s18 =	smov.u32 s17  }
0x4f: {  	p0 =	sne.s32 s17, $0x4C0;
	s17 =	sadd.s32 $0x20, s17;
	_ =	swait.ge [sflag:s14], $0x80  }
0x50: {  	[sflag:s14] =	ssyncset.done $0x0  }
0x51: {  	[sflag:s14] =	ssyncadd.s32 $0xFFFFFF80  }
0x52: {  	[spmem:s2] =	stream.indirect.scatter.add.f32 [tilespmem:s12], [sflag:$0x3], $0x80, s3, s11, $0xb8;
	[tilespmem:$0x18100] =	vst v63  }
0x53: {  	_ =	swait.ge [sflag:s13], $0x4000  }
0x54: {  	[sflag:s13] =	ssyncset.done $0x0  }
0x55: {  	s19 =	sadd.s32 s18, s10;
	[sflag:s13] =	ssyncadd.s32 $0xFFFFC000  }
0x56: {  	[tilespmem:s3], [sflag:$0x1] =	stream.linear.gather [hbm4b:s19+s3], $0x80, $0x38;
	[tilespmem:$0x18100] =	vst v63  }
0x57: {  	_ =	swait.ge [sflag:s15], $0x80  }
0x58: {  	[sflag:s15] =	ssyncset.done $0x0  }
.Ltmp3:
0x59: {  	[sflag:s15] =	ssyncadd.s32 $0xFFFFFF80;
	(pc) =	sbr.rel @p0 .LBB2_8-.Ltmp3, $4  }
0x5a: {  	[spmem:s2] =	stream.indirect.scatter.add.f32 [tilespmem:s12], [sflag:$0x3], $0x80, s11, s11, $0xb8;
	[tilespmem:$0x18100] =	vst v63  }
0x5b: {  	_ =	swait.ge [sflag:s13], $0x4000  }
0x5c: {  	[sflag:s13] =	ssyncset.done $0x0  }
0x5d: {  	s18 =	sadd.s32 s18, s9;
	[sflag:s13] =	ssyncadd.s32 $0xFFFFC000  }
0x5e: {  	[tilespmem:s11], [sflag:$0x2] =	stream.linear.gather [hbm4b:s18+s3], $0x80, $0x38;
	[tilespmem:$0x18100] =	vst v63  }
0x5f: {  	_ =	swait.ge [sflag:s14], $0x80  }
0x60: {  	[sflag:s14] =	ssyncset.done $0x0  }
0x61: {  	[sflag:s14] =	ssyncadd.s32 $0xFFFFFF80  }
0x62: {  	[spmem:s2] =	stream.indirect.scatter.add.f32 [tilespmem:s12], [sflag:$0x3], $0x80, s3, s11, $0xb8;
	[tilespmem:$0x18100] =	vst v63  }
0x63: {  	_ =	swait.ge [sflag:s13], $0x4000  }
0x64: {  	[sflag:s13] =	ssyncset.done $0x0  }
0x65: {  	[sflag:s13] =	ssyncadd.s32 $0xFFFFC000  }
0x66: {  	_ =	swait.ge [sflag:s15], $0x80  }
0x67: {  	[sflag:s15] =	ssyncset.done $0x0  }
0x68: {  	[sflag:s15] =	ssyncadd.s32 $0xFFFFFF80  }
0x69: {  	[spmem:s2] =	stream.indirect.scatter.add.f32 [tilespmem:s12], [sflag:$0x3], $0x80, s11, s11, $0xb8;
	[tilespmem:$0x18100] =	vst v63  }
0x6a: {  	_ =	swait.ge [sflag:s13], $0x4000  }
0x6b: {  	s17 =	sshll.u32 s1, $0x6;
	s16 =	sadd.s32 $0x1, s16;
	[sflag:s13] =	ssyncset.done $0x0  }
0x6c: {  	s31 =	sshrl.u32 s6, $0x3;
	p0 =	sne.s32 s16, s8;
	[sflag:s13] =	ssyncadd.s32 $0xFFFFC000  }
.Ltmp4:
0x6d: {  	s17 =	sor.u32 $0x1C03, s17;
	[bflag:$0x0] =	sbarrier.arrive $0xFFFF;
	(pc) =	sbr.rel @p0 .LBB2_1-.Ltmp4, $4  }
0x6e: {  	[hbm:s7], [sflag:s17] =	dma.local [spmem:s31], $0x2800  }
0x6f: {  	_ =	swait.ge [sflag:s13], $0x2800  }
0x70: {  	[sflag:s13] =	ssyncset.done $0x0  }
0x71: {  	[sflag:s13] =	ssyncadd.s32 $0xFFFFD800  }
0x72: {  	_ =	sfence.sel $0x180000  }
0x73: {  	[bflag:$0x0] =	sbarrier.arrive $0xFFFF  }
0x74: {  	p0 =	sne.s32 s1, $0x0;
	_ =	strace $0x90000047  }
0x75: {  	s0 =	sadd.s32 @!p0 $0x100000, s0;
	[bflag:$0x2] =	sbarrier.arrive $0xFFFF  }
0x76: {  	[sflag:s0] =	ssyncadd.tile.s32 @!p0 $0x1;
	_ =	shalt  }
.Lfunc_end2:
_tile_overlayer_lowered:
.L_overlay_start_2:
0x77: {  	(tag) =	ssettag $0x2  }
0x78: {  	s0 =	rddreg [dreg:$0x0];
	s2 =	stileid.u32  }
0x79: {  	s1 =	rddreg [dreg:$0x1];
	p0 =	sne.s32 s2, $0x0  }
0x7a: {  	s3 =	rddreg [dreg:$0x2];
	[bflag:$0x3] =	sbarrier.arrive $0xFFFF;
	s2 =	simm.s32 @!p0 $0x1C03  }
0x7b: {  	[timem:s3], [sflag:s2] =	dma.local @!p0 [hbm:s0], s1  }
0x7c: {  	s0 =	simm.s32 @!p0 $0x3  }
0x7d: {  	_ =	swait.ge @!p0 [sflag:s0], s1  }
0x7e: {  	s1 =	ssub.s32 @!p0 $0x0, s1;
	[sflag:s0] =	ssyncset.done @!p0 $0x0  }
0x7f: {  	[sflag:s0] =	ssyncadd.s32 @!p0 s1  }
0x80: {  	[bflag:$0x3] =	sbarrier.arrive $0xFFFF  }
0x81: {  	_ =	shalt  }

</sc_bundles>
